<compile_context>
chip_gen: v7x
topology: tpu7x:2x2x1
jax: 0.10.2.dev20260603
libtpu: 0.0.44.dev20260713+nightly
codegen_flags: <defaults>
</compile_context>

<pallas_src>
import functools

import jax
import jax.numpy as jnp
from jax import lax
from jax.experimental import pallas as pl
from jax.experimental.pallas import tpu as pltpu
from jax.experimental.pallas import tpu_sc as plsc

N = 10000
E = 640000
D_IN = 8710
D_HID = 128
D_OUT = 70
D_PAD = 128

NC = 2
NS = 16
NW = NC * NS
CHUNK = 128
EPT = -(-E // NW // CHUNK) * CHUNK
EPAD = EPT * NW
NCH = EPT // CHUNK
NPAD = 10240
RPT = NPAD // NS
JUNK = N + 8

BM = 400
NBLK = N // BM

_f32 = jnp.float32



@functools.cache
def _deg_kernel_fn():
    mesh = plsc.VectorSubcoreMesh(core_axis_name="c", subcore_axis_name="s")

    @functools.partial(
        pl.kernel, mesh=mesh,
        out_type=jax.ShapeDtypeStruct((NC, NPAD, 128), _f32),
        scratch_types=[
            pltpu.VMEM((CHUNK,), jnp.int32),
            pltpu.VMEM((CHUNK, 128), _f32),
            pltpu.VMEM_SHARED((NPAD, 128), _f32),
        ],
    )
    def deg_kernel(dst_hbm, zeros_hbm, ones_hbm, out_hbm, dst_v, ones_v, acc_sh):
        c = lax.axis_index("c")
        s = lax.axis_index("s")
        g = c * NS + s
        r0 = s * RPT
        pltpu.sync_copy(ones_hbm, ones_v)
        pltpu.sync_copy(zeros_hbm.at[pl.ds(r0, RPT)], acc_sh.at[pl.ds(r0, RPT)])
        plsc.subcore_barrier()

        def body(j, carry):
            base = g * EPT + j * CHUNK
            pltpu.sync_copy(dst_hbm.at[pl.ds(base, CHUNK)], dst_v)
            pltpu.sync_copy(ones_v, acc_sh.at[dst_v], add=True)
            return carry

        lax.fori_loop(0, NCH, body, 0)
        plsc.subcore_barrier()
        pltpu.sync_copy(acc_sh.at[pl.ds(r0, RPT)], out_hbm.at[c, pl.ds(r0, RPT)])

    return deg_kernel



@functools.cache
def _make_prop(D):
    mesh = plsc.VectorSubcoreMesh(core_axis_name="c", subcore_axis_name="s")

    @functools.partial(
        pl.kernel, mesh=mesh,
        out_type=jax.ShapeDtypeStruct((NC, NPAD, D), _f32),
        scratch_types=[
            pltpu.VMEM((CHUNK,), jnp.int32),
            pltpu.VMEM((CHUNK,), jnp.int32),
            pltpu.VMEM((CHUNK, D), _f32),
            pltpu.VMEM_SHARED((NPAD, D), _f32),
            pltpu.SemaphoreType.DMA,
        ],
    )
    def prop(src_hbm, dst_hbm, table_hbm, zeros_hbm, out_hbm,
             src_v, dst_v, rows_v, acc_sh, sem):
        c = lax.axis_index("c")
        s = lax.axis_index("s")
        g = c * NS + s
        r0 = s * RPT
        pltpu.sync_copy(zeros_hbm.at[pl.ds(r0, RPT)], acc_sh.at[pl.ds(r0, RPT)])
        plsc.subcore_barrier()

        def body(j, carry):
            base = g * EPT + j * CHUNK
            pltpu.sync_copy(src_hbm.at[pl.ds(base, CHUNK)], src_v)
            pltpu.sync_copy(dst_hbm.at[pl.ds(base, CHUNK)], dst_v)
            pltpu.async_copy(table_hbm.at[src_v], rows_v, sem).wait()
            pltpu.sync_copy(rows_v, acc_sh.at[dst_v], add=True)
            return carry

        lax.fori_loop(0, NCH, body, 0)
        plsc.subcore_barrier()
        pltpu.sync_copy(acc_sh.at[pl.ds(r0, RPT)], out_hbm.at[c, pl.ds(r0, RPT)])

    return prop



def _dinv_from(deg_ref):
    dv = deg_ref[...]
    return lax.rsqrt(dv[0, :, :1] + dv[1, :, :1] + 1.0)


def _mm1_body(x_ref, w_ref, deg_ref, out_ref):
    out_ref[...] = jnp.dot(x_ref[...], w_ref[...],
                           preferred_element_type=_f32) * _dinv_from(deg_ref)


def _fuse2_body(acc_ref, t1_ref, deg_ref, b1_ref, w2_ref, out_ref):
    dinv = _dinv_from(deg_ref)
    a = acc_ref[...]
    z = (a[0] + a[1] + t1_ref[...]) * dinv + b1_ref[...]
    z = jnp.maximum(z, 0.0)
    out_ref[...] = jnp.dot(z, w2_ref[...], preferred_element_type=_f32) * dinv


def _fuse3_body(acc_ref, t2_ref, deg_ref, b2_ref, out_ref):
    dinv = _dinv_from(deg_ref)
    a = acc_ref[...]
    z = (a[0] + a[1] + t2_ref[...]) * dinv + b2_ref[...]
    sm = z[:, :D_OUT]
    m = jnp.max(sm, axis=1, keepdims=True)
    e = jnp.exp(sm - m)
    out_ref[...] = e / jnp.sum(e, axis=1, keepdims=True)


def _mm1(x, w1, deg_raw):
    return pl.pallas_call(
        _mm1_body,
        grid=(NBLK,),
        in_specs=[
            pl.BlockSpec((BM, D_IN), lambda i: (i, 0)),
            pl.BlockSpec((D_IN, D_HID), lambda i: (0, 0)),
            pl.BlockSpec((NC, BM, 128), lambda i: (0, i, 0)),
        ],
        out_specs=pl.BlockSpec((BM, D_HID), lambda i: (i, 0)),
        out_shape=jax.ShapeDtypeStruct((N, D_HID), _f32),
    )(x, w1, deg_raw)


def _fuse2(agg1, t1, deg_raw, b1, w2pad):
    return pl.pallas_call(
        _fuse2_body,
        grid=(NBLK,),
        in_specs=[
            pl.BlockSpec((NC, BM, D_HID), lambda i: (0, i, 0)),
            pl.BlockSpec((BM, D_HID), lambda i: (i, 0)),
            pl.BlockSpec((NC, BM, 128), lambda i: (0, i, 0)),
            pl.BlockSpec((1, D_HID), lambda i: (0, 0)),
            pl.BlockSpec((D_HID, D_PAD), lambda i: (0, 0)),
        ],
        out_specs=pl.BlockSpec((BM, D_PAD), lambda i: (i, 0)),
        out_shape=jax.ShapeDtypeStruct((N, D_PAD), _f32),
    )(agg1, t1, deg_raw, b1, w2pad)


def _fuse3(agg2, t2, deg_raw, b2):
    return pl.pallas_call(
        _fuse3_body,
        grid=(NBLK,),
        in_specs=[
            pl.BlockSpec((NC, BM, D_PAD), lambda i: (0, i, 0)),
            pl.BlockSpec((BM, D_PAD), lambda i: (i, 0)),
            pl.BlockSpec((NC, BM, 128), lambda i: (0, i, 0)),
            pl.BlockSpec((1, D_PAD), lambda i: (0, 0)),
        ],
        out_specs=pl.BlockSpec((BM, D_OUT), lambda i: (i, 0)),
        out_shape=jax.ShapeDtypeStruct((N, D_OUT), _f32),
    )(agg2, t2, deg_raw, b2)



def kernel(inputs, edges, W1, b1, W2, b2):
    src = edges[0]
    dst = edges[1]
    pad = EPAD - E
    src_pad = jnp.concatenate([src, jnp.zeros((pad,), jnp.int32)])
    junk = N + jnp.arange(pad, dtype=jnp.int32) % (NPAD - N)
    dst_pad = jnp.concatenate([dst, junk])

    zeros128 = jnp.zeros((NPAD, 128), _f32)
    ones128 = jnp.ones((CHUNK, 128), _f32)
    w2pad = jnp.pad(W2, ((0, 0), (0, D_PAD - D_OUT)))
    b2pad = jnp.pad(b2, (0, D_PAD - D_OUT)).reshape(1, D_PAD)

    deg_raw = _deg_kernel_fn()(dst_pad, zeros128, ones128)
    t1 = _mm1(inputs, W1, deg_raw)
    agg1 = _make_prop(D_HID)(src_pad, dst_pad, t1, zeros128)
    t2 = _fuse2(agg1, t1, deg_raw, b1.reshape(1, D_HID), w2pad)
    agg2 = _make_prop(D_PAD)(src_pad, dst_pad, t2, zeros128)
    return _fuse3(agg2, t2, deg_raw, b2pad)

# --- scband reference (transcript-rebuilt; emitter-appended) ---
"""Pipeline reference for scband-model-33552284516756 (READ-ONLY COPY).

The authoritative reference and input builder live on the scoring server;
editing this copy changes nothing except your own understanding.
"""

import jax, jax.numpy as jnp
import numpy as np

N = 10000
E = 640000
D_IN = 8710
D_HID = 128
D_OUT = 70


def setup_inputs(seed: int = 0) -> dict:
    key = jax.random.key(seed)
    k1, k2, k3, k4 = jax.random.split(key, 4)
    inputs = jax.random.normal(k1, (N, D_IN), dtype=jnp.float32)
    edges = jax.random.randint(k2, (2, E), 0, N, dtype=jnp.int32)
    # glorot-style init for GCN weight matrices
    W1 = jax.random.normal(k3, (D_IN, D_HID), dtype=jnp.float32) * np.sqrt(2.0 / (D_IN + D_HID))
    b1 = jnp.zeros((D_HID,), dtype=jnp.float32)
    W2 = jax.random.normal(k4, (D_HID, D_OUT), dtype=jnp.float32) * np.sqrt(2.0 / (D_HID + D_OUT))
    b2 = jnp.zeros((D_OUT,), dtype=jnp.float32)
    return {"inputs": inputs, "edges": edges, "W1": W1, "b1": b1, "W2": W2, "b2": b2}


def gcn_conv(x, edge_index, W, b):
    # Faithful GCNConv: x' = D^{-1/2} (A + I) D^{-1/2} X W + b
    n = x.shape[0]
    h = x @ W
    src = edge_index[0]
    dst = edge_index[1]
    # add self loops
    loop = jnp.arange(n, dtype=src.dtype)
    src = jnp.concatenate([src, loop])
    dst = jnp.concatenate([dst, loop])
    ones = jnp.ones(src.shape[0], dtype=h.dtype)
    deg = jnp.zeros((n,), dtype=h.dtype).at[dst].add(ones)
    deg_inv_sqrt = jnp.where(deg > 0, deg ** -0.5, 0.0)
    norm = deg_inv_sqrt[src] * deg_inv_sqrt[dst]
    msg = h[src] * norm[:, None]
    out = jnp.zeros_like(h).at[dst].add(msg)
    return out + b


def reference(inputs, edges, W1, b1, W2, b2):
    h = gcn_conv(inputs, edges, W1, b1)
    h = jax.nn.relu(h)
    h = gcn_conv(h, edges, W2, b2)
    return jax.nn.softmax(h, axis=-1)

if __name__ == "__main__":
    import jax
    _d = setup_inputs()
    print(jax.jit(kernel)(*tuple(_d.values())))

</pallas_src>

<mosaic_0001>
#map = affine_map<(d0, d1) -> (0)>
#map1 = affine_map<(d0, d1) -> (0, 0)>
#map2 = affine_map<(d0, d1) -> (0, 0, 0)>
module attributes {stable_mosaic.version = 14 : i64} {
  func.func @prop(%arg0: i32, %arg1: i32, %arg2: memref<643072xi32, #tpu.memory_space<hbm>>, %arg3: memref<643072xi32, #tpu.memory_space<hbm>>, %arg4: memref<10000x128xf32, #tpu.memory_space<hbm>>, %arg5: memref<10240x128xf32, #tpu.memory_space<hbm>>, %arg6: memref<2x10240x128xf32, #tpu.memory_space<hbm>>, %arg7: memref<128xi32, #tpu.memory_space<vmem>>, %arg8: memref<128xi32, #tpu.memory_space<vmem>>, %arg9: memref<128x128xf32, #tpu.memory_space<vmem>>, %arg10: memref<10240x128xf32, #tpu.memory_space<vmem_shared>>, %arg11: memref<!tpu.dma_semaphore, #tpu.memory_space<semaphore_mem>>) attributes {dimension_semantics = [#tpu.dimension_semantics<core_parallel>, #tpu.dimension_semantics<subcore_parallel>], iteration_bounds = array<i64: 2, 16>, scalar_prefetch = 0 : i64, scratch_operands = 5 : i64, tpu.core_type = #tpu.core_type<sc_vector_subcore>, window_params = [{transform_indices = #map}, {transform_indices = #map}, {transform_indices = #map1}, {transform_indices = #map1}, {transform_indices = #map2}]} {
    %mul3A = arith.constant 16 : i32
    %mul3A_0 = arith.muli %arg0, %mul3A : i32
    %add3A = arith.addi %mul3A_0, %arg1 : i32
    %mul3A_1 = arith.constant 640 : i32
    %mul3A_2 = arith.muli %arg1, %mul3A_1 : i32
    "tpu.region"() ({
      %run_scoped3A = tpu.sem_alloc : memref<!tpu.dma_semaphore, #tpu.memory_space<semaphore_mem>>
      %dma_start3A = arith.constant 0 : i32
      %dma_start3A_9 = tpu.memref_slice %arg10[%mul3A_2, %dma_start3A] : memref<10240x128xf32, #tpu.memory_space<vmem_shared>> -> memref<640x128xf32, #tpu.memory_space<vmem_shared>>
      %dma_start3A_10 = arith.constant 0 : i32
      %dma_start3A_11 = tpu.memref_slice %arg5[%mul3A_2, %dma_start3A_10] : memref<10240x128xf32, #tpu.memory_space<hbm>> -> memref<640x128xf32, #tpu.memory_space<hbm>>
      tpu.enqueue_dma source(%dma_start3A_11 : memref<640x128xf32, #tpu.memory_space<hbm>>) target(%dma_start3A_9 : memref<640x128xf32, #tpu.memory_space<vmem_shared>>) target_semaphore(%run_scoped3A : memref<!tpu.dma_semaphore, #tpu.memory_space<semaphore_mem>>)
      %dma_wait3A = arith.constant 0 : i32
      %dma_wait3A_12 = tpu.memref_slice %arg10[%mul3A_2, %dma_wait3A] : memref<10240x128xf32, #tpu.memory_space<vmem_shared>> -> memref<640x128xf32, #tpu.memory_space<vmem_shared>>
      %dma_wait3A_13 = arith.constant 0 : i32
      %dma_wait3A_14 = tpu.memref_slice %arg5[%mul3A_2, %dma_wait3A_13] : memref<10240x128xf32, #tpu.memory_space<hbm>> -> memref<640x128xf32, #tpu.memory_space<hbm>>
      tpu.wait_dma2 semaphore(%run_scoped3A : memref<!tpu.dma_semaphore, #tpu.memory_space<semaphore_mem>>) src(%dma_wait3A_14 : memref<640x128xf32, #tpu.memory_space<hbm>>) dst(%dma_wait3A_12 : memref<640x128xf32, #tpu.memory_space<vmem_shared>>)
      tpu.yield
    }) : () -> ()
    %barrier3A = arith.constant 0 : index
    tpu.barrier barrier_id(%barrier3A)
    %scan3A = arith.constant 0 : i32
    %scan3A_3 = arith.constant 0 : i32
    %scan3A_4 = arith.constant 157 : i32
    %scan3A_5 = arith.addi %scan3A_3, %scan3A_4 : i32
    %scan3A_6 = arith.constant 1 : i32
    scf.for %scan3A_9 = %scan3A_3 to %scan3A_5 step %scan3A_6  : i32 {
      %mul3A_10 = arith.constant 20096 : i32
      %mul3A_11 = arith.muli %add3A, %mul3A_10 : i32
      %mul3A_12 = arith.constant 128 : i32
      %mul3A_13 = arith.muli %scan3A_9, %mul3A_12 : i32
      %add3A_14 = arith.addi %mul3A_11, %mul3A_13 : i32
      "tpu.region"() ({
        %run_scoped3A = tpu.sem_alloc : memref<!tpu.dma_semaphore, #tpu.memory_space<semaphore_mem>>
        %dma_start3A_19 = tpu.memref_slice %arg2[%add3A_14] : memref<643072xi32, #tpu.memory_space<hbm>> -> memref<128xi32, #tpu.memory_space<hbm>>
        %dma_start3A_20 = tpu.memref_slice %arg2[%add3A_14] : memref<643072xi32, #tpu.memory_space<hbm>> -> memref<128xi32, #tpu.memory_space<hbm>>
        tpu.enqueue_dma source(%dma_start3A_20 : memref<128xi32, #tpu.memory_space<hbm>>) target(%arg7 : memref<128xi32, #tpu.memory_space<vmem>>) target_semaphore(%run_scoped3A : memref<!tpu.dma_semaphore, #tpu.memory_space<semaphore_mem>>)
        %dma_wait3A_21 = tpu.memref_slice %arg2[%add3A_14] : memref<643072xi32, #tpu.memory_space<hbm>> -> memref<128xi32, #tpu.memory_space<hbm>>
        %dma_wait3A_22 = tpu.memref_slice %arg2[%add3A_14] : memref<643072xi32, #tpu.memory_space<hbm>> -> memref<128xi32, #tpu.memory_space<hbm>>
        tpu.wait_dma2 semaphore(%run_scoped3A : memref<!tpu.dma_semaphore, #tpu.memory_space<semaphore_mem>>) src(%dma_wait3A_22 : memref<128xi32, #tpu.memory_space<hbm>>) dst(%arg7 : memref<128xi32, #tpu.memory_space<vmem>>)
        tpu.yield
      }) : () -> ()
      "tpu.region"() ({
        %run_scoped3A = tpu.sem_alloc : memref<!tpu.dma_semaphore, #tpu.memory_space<semaphore_mem>>
        %dma_start3A_19 = tpu.memref_slice %arg3[%add3A_14] : memref<643072xi32, #tpu.memory_space<hbm>> -> memref<128xi32, #tpu.memory_space<hbm>>
        %dma_start3A_20 = tpu.memref_slice %arg3[%add3A_14] : memref<643072xi32, #tpu.memory_space<hbm>> -> memref<128xi32, #tpu.memory_space<hbm>>
        tpu.enqueue_dma source(%dma_start3A_20 : memref<128xi32, #tpu.memory_space<hbm>>) target(%arg8 : memref<128xi32, #tpu.memory_space<vmem>>) target_semaphore(%run_scoped3A : memref<!tpu.dma_semaphore, #tpu.memory_space<semaphore_mem>>)
        %dma_wait3A_21 = tpu.memref_slice %arg3[%add3A_14] : memref<643072xi32, #tpu.memory_space<hbm>> -> memref<128xi32, #tpu.memory_space<hbm>>
        %dma_wait3A_22 = tpu.memref_slice %arg3[%add3A_14] : memref<643072xi32, #tpu.memory_space<hbm>> -> memref<128xi32, #tpu.memory_space<hbm>>
        tpu.wait_dma2 semaphore(%run_scoped3A : memref<!tpu.dma_semaphore, #tpu.memory_space<semaphore_mem>>) src(%dma_wait3A_22 : memref<128xi32, #tpu.memory_space<hbm>>) dst(%arg8 : memref<128xi32, #tpu.memory_space<vmem>>)
        tpu.yield
      }) : () -> ()
      %dma_start3A = arith.constant 0 : i32
      %dma_start3A_15 = arith.constant 0 : i32
      %dma_start3A_16 = tpu.memref_slice %arg4[%dma_start3A, %dma_start3A_15] : memref<10000x128xf32, #tpu.memory_space<hbm>> -> memref<10000x128xf32, #tpu.memory_space<hbm>>
      tpu.enqueue_indirect_dma source(%dma_start3A_16 : memref<10000x128xf32, #tpu.memory_space<hbm>>) target(%arg9 : memref<128x128xf32, #tpu.memory_space<vmem>>) offsets(%arg7 : memref<128xi32, #tpu.memory_space<vmem>>) semaphore(%arg11 : memref<!tpu.dma_semaphore, #tpu.memory_space<semaphore_mem>>)
      %dma_wait3A = arith.constant 0 : i32
      %dma_wait3A_17 = arith.constant 0 : i32
      %dma_wait3A_18 = tpu.memref_slice %arg4[%dma_wait3A, %dma_wait3A_17] : memref<10000x128xf32, #tpu.memory_space<hbm>> -> memref<10000x128xf32, #tpu.memory_space<hbm>>
      tpu.wait_indirect_dma semaphore(%arg11 : memref<!tpu.dma_semaphore, #tpu.memory_space<semaphore_mem>>) src(%dma_wait3A_18 : memref<10000x128xf32, #tpu.memory_space<hbm>>) dst(%arg9 : memref<128x128xf32, #tpu.memory_space<vmem>>)
      "tpu.region"() ({
        %run_scoped3A = tpu.sem_alloc : memref<!tpu.dma_semaphore, #tpu.memory_space<semaphore_mem>>
        %dma_start3A_19 = arith.constant 0 : i32
        %dma_start3A_20 = arith.constant 0 : i32
        %dma_start3A_21 = tpu.memref_slice %arg10[%dma_start3A_19, %dma_start3A_20] : memref<10240x128xf32, #tpu.memory_space<vmem_shared>> -> memref<10240x128xf32, #tpu.memory_space<vmem_shared>>
        tpu.enqueue_indirect_dma source(%arg9 : memref<128x128xf32, #tpu.memory_space<vmem>>) target(%dma_start3A_21 : memref<10240x128xf32, #tpu.memory_space<vmem_shared>>) offsets(%arg8 : memref<128xi32, #tpu.memory_space<vmem>>) semaphore(%run_scoped3A : memref<!tpu.dma_semaphore, #tpu.memory_space<semaphore_mem>>) {add = true}
        %dma_wait3A_22 = arith.constant 0 : i32
        %dma_wait3A_23 = arith.constant 0 : i32
        %dma_wait3A_24 = tpu.memref_slice %arg10[%dma_wait3A_22, %dma_wait3A_23] : memref<10240x128xf32, #tpu.memory_space<vmem_shared>> -> memref<10240x128xf32, #tpu.memory_space<vmem_shared>>
        tpu.wait_indirect_dma semaphore(%run_scoped3A : memref<!tpu.dma_semaphore, #tpu.memory_space<semaphore_mem>>) src(%arg9 : memref<128x128xf32, #tpu.memory_space<vmem>>) dst(%dma_wait3A_24 : memref<10240x128xf32, #tpu.memory_space<vmem_shared>>)
        tpu.yield
      }) : () -> ()
    }
    %scan3A_7 = arith.constant 157 : i32
    %barrier3A_8 = arith.constant 0 : index
    tpu.barrier barrier_id(%barrier3A_8)
    "tpu.region"() ({
      %run_scoped3A = tpu.sem_alloc : memref<!tpu.dma_semaphore, #tpu.memory_space<semaphore_mem>>
      %dma_start3A = arith.constant 0 : i32
      %dma_start3A_9 = tpu.memref_slice %arg6[%arg0, %mul3A_2, %dma_start3A] : memref<2x10240x128xf32, #tpu.memory_space<hbm>> -> memref<1x640x128xf32, #tpu.memory_space<hbm>>
      %dma_start3A_10 = tpu.memref_squeeze %dma_start3A_9 : memref<1x640x128xf32, #tpu.memory_space<hbm>> -> memref<640x128xf32, #tpu.memory_space<hbm>>
      %dma_start3A_11 = arith.constant 0 : i32
      %dma_start3A_12 = tpu.memref_slice %arg10[%mul3A_2, %dma_start3A_11] : memref<10240x128xf32, #tpu.memory_space<vmem_shared>> -> memref<640x128xf32, #tpu.memory_space<vmem_shared>>
      tpu.enqueue_dma source(%dma_start3A_12 : memref<640x128xf32, #tpu.memory_space<vmem_shared>>) target(%dma_start3A_10 : memref<640x128xf32, #tpu.memory_space<hbm>>) target_semaphore(%run_scoped3A : memref<!tpu.dma_semaphore, #tpu.memory_space<semaphore_mem>>)
      %dma_wait3A = arith.constant 0 : i32
      %dma_wait3A_13 = tpu.memref_slice %arg6[%arg0, %mul3A_2, %dma_wait3A] : memref<2x10240x128xf32, #tpu.memory_space<hbm>> -> memref<1x640x128xf32, #tpu.memory_space<hbm>>
      %dma_wait3A_14 = tpu.memref_squeeze %dma_wait3A_13 : memref<1x640x128xf32, #tpu.memory_space<hbm>> -> memref<640x128xf32, #tpu.memory_space<hbm>>
      %dma_wait3A_15 = arith.constant 0 : i32
      %dma_wait3A_16 = tpu.memref_slice %arg10[%mul3A_2, %dma_wait3A_15] : memref<10240x128xf32, #tpu.memory_space<vmem_shared>> -> memref<640x128xf32, #tpu.memory_space<vmem_shared>>
      tpu.wait_dma2 semaphore(%run_scoped3A : memref<!tpu.dma_semaphore, #tpu.memory_space<semaphore_mem>>) src(%dma_wait3A_16 : memref<640x128xf32, #tpu.memory_space<vmem_shared>>) dst(%dma_wait3A_14 : memref<640x128xf32, #tpu.memory_space<hbm>>)
      tpu.yield
    }) : () -> ()
    return
  }
}

#map = affine_map<(d0, d1) -> (0)>
#map1 = affine_map<(d0, d1) -> (0, 0)>
#map2 = affine_map<(d0, d1) -> (0, 0, 0)>
module attributes {stable_mosaic.version = 14 : i64} {
  func.func @deg_kernel(%arg0: i32, %arg1: i32, %arg2: memref<643072xi32, #tpu.memory_space<hbm>>, %arg3: memref<10240x128xf32, #tpu.memory_space<hbm>>, %arg4: memref<128x128xf32, #tpu.memory_space<hbm>>, %arg5: memref<2x10240x128xf32, #tpu.memory_space<hbm>>, %arg6: memref<128xi32, #tpu.memory_space<vmem>>, %arg7: memref<128x128xf32, #tpu.memory_space<vmem>>, %arg8: memref<10240x128xf32, #tpu.memory_space<vmem_shared>>) attributes {dimension_semantics = [#tpu.dimension_semantics<core_parallel>, #tpu.dimension_semantics<subcore_parallel>], iteration_bounds = array<i64: 2, 16>, scalar_prefetch = 0 : i64, scratch_operands = 3 : i64, tpu.core_type = #tpu.core_type<sc_vector_subcore>, window_params = [{transform_indices = #map}, {transform_indices = #map1}, {transform_indices = #map1}, {transform_indices = #map2}]} {
    %mul3A = arith.constant 16 : i32
    %mul3A_0 = arith.muli %arg0, %mul3A : i32
    %add3A = arith.addi %mul3A_0, %arg1 : i32
    %mul3A_1 = arith.constant 640 : i32
    %mul3A_2 = arith.muli %arg1, %mul3A_1 : i32
    "tpu.region"() ({
      %run_scoped3A = tpu.sem_alloc : memref<!tpu.dma_semaphore, #tpu.memory_space<semaphore_mem>>
      tpu.enqueue_dma source(%arg4 : memref<128x128xf32, #tpu.memory_space<hbm>>) target(%arg7 : memref<128x128xf32, #tpu.memory_space<vmem>>) target_semaphore(%run_scoped3A : memref<!tpu.dma_semaphore, #tpu.memory_space<semaphore_mem>>)
      tpu.wait_dma2 semaphore(%run_scoped3A : memref<!tpu.dma_semaphore, #tpu.memory_space<semaphore_mem>>) src(%arg4 : memref<128x128xf32, #tpu.memory_space<hbm>>) dst(%arg7 : memref<128x128xf32, #tpu.memory_space<vmem>>)
      tpu.yield
    }) : () -> ()
    "tpu.region"() ({
      %run_scoped3A = tpu.sem_alloc : memref<!tpu.dma_semaphore, #tpu.memory_space<semaphore_mem>>
      %dma_start3A = arith.constant 0 : i32
      %dma_start3A_9 = tpu.memref_slice %arg8[%mul3A_2, %dma_start3A] : memref<10240x128xf32, #tpu.memory_space<vmem_shared>> -> memref<640x128xf32, #tpu.memory_space<vmem_shared>>
      %dma_start3A_10 = arith.constant 0 : i32
      %dma_start3A_11 = tpu.memref_slice %arg3[%mul3A_2, %dma_start3A_10] : memref<10240x128xf32, #tpu.memory_space<hbm>> -> memref<640x128xf32, #tpu.memory_space<hbm>>
      tpu.enqueue_dma source(%dma_start3A_11 : memref<640x128xf32, #tpu.memory_space<hbm>>) target(%dma_start3A_9 : memref<640x128xf32, #tpu.memory_space<vmem_shared>>) target_semaphore(%run_scoped3A : memref<!tpu.dma_semaphore, #tpu.memory_space<semaphore_mem>>)
      %dma_wait3A = arith.constant 0 : i32
      %dma_wait3A_12 = tpu.memref_slice %arg8[%mul3A_2, %dma_wait3A] : memref<10240x128xf32, #tpu.memory_space<vmem_shared>> -> memref<640x128xf32, #tpu.memory_space<vmem_shared>>
      %dma_wait3A_13 = arith.constant 0 : i32
      %dma_wait3A_14 = tpu.memref_slice %arg3[%mul3A_2, %dma_wait3A_13] : memref<10240x128xf32, #tpu.memory_space<hbm>> -> memref<640x128xf32, #tpu.memory_space<hbm>>
      tpu.wait_dma2 semaphore(%run_scoped3A : memref<!tpu.dma_semaphore, #tpu.memory_space<semaphore_mem>>) src(%dma_wait3A_14 : memref<640x128xf32, #tpu.memory_space<hbm>>) dst(%dma_wait3A_12 : memref<640x128xf32, #tpu.memory_space<vmem_shared>>)
      tpu.yield
    }) : () -> ()
    %barrier3A = arith.constant 0 : index
    tpu.barrier barrier_id(%barrier3A)
    %scan3A = arith.constant 0 : i32
    %scan3A_3 = arith.constant 0 : i32
    %scan3A_4 = arith.constant 157 : i32
    %scan3A_5 = arith.addi %scan3A_3, %scan3A_4 : i32
    %scan3A_6 = arith.constant 1 : i32
    scf.for %scan3A_9 = %scan3A_3 to %scan3A_5 step %scan3A_6  : i32 {
      %mul3A_10 = arith.constant 20096 : i32
      %mul3A_11 = arith.muli %add3A, %mul3A_10 : i32
      %mul3A_12 = arith.constant 128 : i32
      %mul3A_13 = arith.muli %scan3A_9, %mul3A_12 : i32
      %add3A_14 = arith.addi %mul3A_11, %mul3A_13 : i32
      "tpu.region"() ({
        %run_scoped3A = tpu.sem_alloc : memref<!tpu.dma_semaphore, #tpu.memory_space<semaphore_mem>>
        %dma_start3A = tpu.memref_slice %arg2[%add3A_14] : memref<643072xi32, #tpu.memory_space<hbm>> -> memref<128xi32, #tpu.memory_space<hbm>>
        %dma_start3A_15 = tpu.memref_slice %arg2[%add3A_14] : memref<643072xi32, #tpu.memory_space<hbm>> -> memref<128xi32, #tpu.memory_space<hbm>>
        tpu.enqueue_dma source(%dma_start3A_15 : memref<128xi32, #tpu.memory_space<hbm>>) target(%arg6 : memref<128xi32, #tpu.memory_space<vmem>>) target_semaphore(%run_scoped3A : memref<!tpu.dma_semaphore, #tpu.memory_space<semaphore_mem>>)
        %dma_wait3A = tpu.memref_slice %arg2[%add3A_14] : memref<643072xi32, #tpu.memory_space<hbm>> -> memref<128xi32, #tpu.memory_space<hbm>>
        %dma_wait3A_16 = tpu.memref_slice %arg2[%add3A_14] : memref<643072xi32, #tpu.memory_space<hbm>> -> memref<128xi32, #tpu.memory_space<hbm>>
        tpu.wait_dma2 semaphore(%run_scoped3A : memref<!tpu.dma_semaphore, #tpu.memory_space<semaphore_mem>>) src(%dma_wait3A_16 : memref<128xi32, #tpu.memory_space<hbm>>) dst(%arg6 : memref<128xi32, #tpu.memory_space<vmem>>)
        tpu.yield
      }) : () -> ()
      "tpu.region"() ({
        %run_scoped3A = tpu.sem_alloc : memref<!tpu.dma_semaphore, #tpu.memory_space<semaphore_mem>>
        %dma_start3A = arith.constant 0 : i32
        %dma_start3A_15 = arith.constant 0 : i32
        %dma_start3A_16 = tpu.memref_slice %arg8[%dma_start3A, %dma_start3A_15] : memref<10240x128xf32, #tpu.memory_space<vmem_shared>> -> memref<10240x128xf32, #tpu.memory_space<vmem_shared>>
        tpu.enqueue_indirect_dma source(%arg7 : memref<128x128xf32, #tpu.memory_space<vmem>>) target(%dma_start3A_16 : memref<10240x128xf32, #tpu.memory_space<vmem_shared>>) offsets(%arg6 : memref<128xi32, #tpu.memory_space<vmem>>) semaphore(%run_scoped3A : memref<!tpu.dma_semaphore, #tpu.memory_space<semaphore_mem>>) {add = true}
        %dma_wait3A = arith.constant 0 : i32
        %dma_wait3A_17 = arith.constant 0 : i32
        %dma_wait3A_18 = tpu.memref_slice %arg8[%dma_wait3A, %dma_wait3A_17] : memref<10240x128xf32, #tpu.memory_space<vmem_shared>> -> memref<10240x128xf32, #tpu.memory_space<vmem_shared>>
        tpu.wait_indirect_dma semaphore(%run_scoped3A : memref<!tpu.dma_semaphore, #tpu.memory_space<semaphore_mem>>) src(%arg7 : memref<128x128xf32, #tpu.memory_space<vmem>>) dst(%dma_wait3A_18 : memref<10240x128xf32, #tpu.memory_space<vmem_shared>>)
        tpu.yield
      }) : () -> ()
    }
    %scan3A_7 = arith.constant 157 : i32
    %barrier3A_8 = arith.constant 0 : index
    tpu.barrier barrier_id(%barrier3A_8)
    "tpu.region"() ({
      %run_scoped3A = tpu.sem_alloc : memref<!tpu.dma_semaphore, #tpu.memory_space<semaphore_mem>>
      %dma_start3A = arith.constant 0 : i32
      %dma_start3A_9 = tpu.memref_slice %arg5[%arg0, %mul3A_2, %dma_start3A] : memref<2x10240x128xf32, #tpu.memory_space<hbm>> -> memref<1x640x128xf32, #tpu.memory_space<hbm>>
      %dma_start3A_10 = tpu.memref_squeeze %dma_start3A_9 : memref<1x640x128xf32, #tpu.memory_space<hbm>> -> memref<640x128xf32, #tpu.memory_space<hbm>>
      %dma_start3A_11 = arith.constant 0 : i32
      %dma_start3A_12 = tpu.memref_slice %arg8[%mul3A_2, %dma_start3A_11] : memref<10240x128xf32, #tpu.memory_space<vmem_shared>> -> memref<640x128xf32, #tpu.memory_space<vmem_shared>>
      tpu.enqueue_dma source(%dma_start3A_12 : memref<640x128xf32, #tpu.memory_space<vmem_shared>>) target(%dma_start3A_10 : memref<640x128xf32, #tpu.memory_space<hbm>>) target_semaphore(%run_scoped3A : memref<!tpu.dma_semaphore, #tpu.memory_space<semaphore_mem>>)
      %dma_wait3A = arith.constant 0 : i32
      %dma_wait3A_13 = tpu.memref_slice %arg5[%arg0, %mul3A_2, %dma_wait3A] : memref<2x10240x128xf32, #tpu.memory_space<hbm>> -> memref<1x640x128xf32, #tpu.memory_space<hbm>>
      %dma_wait3A_14 = tpu.memref_squeeze %dma_wait3A_13 : memref<1x640x128xf32, #tpu.memory_space<hbm>> -> memref<640x128xf32, #tpu.memory_space<hbm>>
      %dma_wait3A_15 = arith.constant 0 : i32
      %dma_wait3A_16 = tpu.memref_slice %arg8[%mul3A_2, %dma_wait3A_15] : memref<10240x128xf32, #tpu.memory_space<vmem_shared>> -> memref<640x128xf32, #tpu.memory_space<vmem_shared>>
      tpu.wait_dma2 semaphore(%run_scoped3A : memref<!tpu.dma_semaphore, #tpu.memory_space<semaphore_mem>>) src(%dma_wait3A_16 : memref<640x128xf32, #tpu.memory_space<vmem_shared>>) dst(%dma_wait3A_14 : memref<640x128xf32, #tpu.memory_space<hbm>>)
      tpu.yield
    }) : () -> ()
    return
  }
}

#map = affine_map<(d0, d1) -> (0)>
#map1 = affine_map<(d0, d1) -> (0, 0)>
#map2 = affine_map<(d0, d1) -> (0, 0, 0)>
module attributes {stable_mosaic.version = 14 : i64} {
  func.func @prop(%arg0: i32, %arg1: i32, %arg2: memref<643072xi32, #tpu.memory_space<hbm>>, %arg3: memref<643072xi32, #tpu.memory_space<hbm>>, %arg4: memref<10000x128xf32, #tpu.memory_space<hbm>>, %arg5: memref<10240x128xf32, #tpu.memory_space<hbm>>, %arg6: memref<2x10240x128xf32, #tpu.memory_space<hbm>>, %arg7: memref<128xi32, #tpu.memory_space<vmem>>, %arg8: memref<128xi32, #tpu.memory_space<vmem>>, %arg9: memref<128x128xf32, #tpu.memory_space<vmem>>, %arg10: memref<10240x128xf32, #tpu.memory_space<vmem_shared>>, %arg11: memref<!tpu.dma_semaphore, #tpu.memory_space<semaphore_mem>>) attributes {dimension_semantics = [#tpu.dimension_semantics<core_parallel>, #tpu.dimension_semantics<subcore_parallel>], iteration_bounds = array<i64: 2, 16>, scalar_prefetch = 0 : i64, scratch_operands = 5 : i64, tpu.core_type = #tpu.core_type<sc_vector_subcore>, window_params = [{transform_indices = #map}, {transform_indices = #map}, {transform_indices = #map1}, {transform_indices = #map1}, {transform_indices = #map2}]} {
    %mul3A = arith.constant 16 : i32
    %mul3A_0 = arith.muli %arg0, %mul3A : i32
    %add3A = arith.addi %mul3A_0, %arg1 : i32
    %mul3A_1 = arith.constant 640 : i32
    %mul3A_2 = arith.muli %arg1, %mul3A_1 : i32
    "tpu.region"() ({
      %run_scoped3A = tpu.sem_alloc : memref<!tpu.dma_semaphore, #tpu.memory_space<semaphore_mem>>
      %dma_start3A = arith.constant 0 : i32
      %dma_start3A_9 = tpu.memref_slice %arg10[%mul3A_2, %dma_start3A] : memref<10240x128xf32, #tpu.memory_space<vmem_shared>> -> memref<640x128xf32, #tpu.memory_space<vmem_shared>>
      %dma_start3A_10 = arith.constant 0 : i32
      %dma_start3A_11 = tpu.memref_slice %arg5[%mul3A_2, %dma_start3A_10] : memref<10240x128xf32, #tpu.memory_space<hbm>> -> memref<640x128xf32, #tpu.memory_space<hbm>>
      tpu.enqueue_dma source(%dma_start3A_11 : memref<640x128xf32, #tpu.memory_space<hbm>>) target(%dma_start3A_9 : memref<640x128xf32, #tpu.memory_space<vmem_shared>>) target_semaphore(%run_scoped3A : memref<!tpu.dma_semaphore, #tpu.memory_space<semaphore_mem>>)
      %dma_wait3A = arith.constant 0 : i32
      %dma_wait3A_12 = tpu.memref_slice %arg10[%mul3A_2, %dma_wait3A] : memref<10240x128xf32, #tpu.memory_space<vmem_shared>> -> memref<640x128xf32, #tpu.memory_space<vmem_shared>>
      %dma_wait3A_13 = arith.constant 0 : i32
      %dma_wait3A_14 = tpu.memref_slice %arg5[%mul3A_2, %dma_wait3A_13] : memref<10240x128xf32, #tpu.memory_space<hbm>> -> memref<640x128xf32, #tpu.memory_space<hbm>>
      tpu.wait_dma2 semaphore(%run_scoped3A : memref<!tpu.dma_semaphore, #tpu.memory_space<semaphore_mem>>) src(%dma_wait3A_14 : memref<640x128xf32, #tpu.memory_space<hbm>>) dst(%dma_wait3A_12 : memref<640x128xf32, #tpu.memory_space<vmem_shared>>)
      tpu.yield
    }) : () -> ()
    %barrier3A = arith.constant 0 : index
    tpu.barrier barrier_id(%barrier3A)
    %scan3A = arith.constant 0 : i32
    %scan3A_3 = arith.constant 0 : i32
    %scan3A_4 = arith.constant 157 : i32
    %scan3A_5 = arith.addi %scan3A_3, %scan3A_4 : i32
    %scan3A_6 = arith.constant 1 : i32
    scf.for %scan3A_9 = %scan3A_3 to %scan3A_5 step %scan3A_6  : i32 {
      %mul3A_10 = arith.constant 20096 : i32
      %mul3A_11 = arith.muli %add3A, %mul3A_10 : i32
      %mul3A_12 = arith.constant 128 : i32
      %mul3A_13 = arith.muli %scan3A_9, %mul3A_12 : i32
      %add3A_14 = arith.addi %mul3A_11, %mul3A_13 : i32
      "tpu.region"() ({
        %run_scoped3A = tpu.sem_alloc : memref<!tpu.dma_semaphore, #tpu.memory_space<semaphore_mem>>
        %dma_start3A_19 = tpu.memref_slice %arg2[%add3A_14] : memref<643072xi32, #tpu.memory_space<hbm>> -> memref<128xi32, #tpu.memory_space<hbm>>
        %dma_start3A_20 = tpu.memref_slice %arg2[%add3A_14] : memref<643072xi32, #tpu.memory_space<hbm>> -> memref<128xi32, #tpu.memory_space<hbm>>
        tpu.enqueue_dma source(%dma_start3A_20 : memref<128xi32, #tpu.memory_space<hbm>>) target(%arg7 : memref<128xi32, #tpu.memory_space<vmem>>) target_semaphore(%run_scoped3A : memref<!tpu.dma_semaphore, #tpu.memory_space<semaphore_mem>>)
        %dma_wait3A_21 = tpu.memref_slice %arg2[%add3A_14] : memref<643072xi32, #tpu.memory_space<hbm>> -> memref<128xi32, #tpu.memory_space<hbm>>
        %dma_wait3A_22 = tpu.memref_slice %arg2[%add3A_14] : memref<643072xi32, #tpu.memory_space<hbm>> -> memref<128xi32, #tpu.memory_space<hbm>>
        tpu.wait_dma2 semaphore(%run_scoped3A : memref<!tpu.dma_semaphore, #tpu.memory_space<semaphore_mem>>) src(%dma_wait3A_22 : memref<128xi32, #tpu.memory_space<hbm>>) dst(%arg7 : memref<128xi32, #tpu.memory_space<vmem>>)
        tpu.yield
      }) : () -> ()
      "tpu.region"() ({
        %run_scoped3A = tpu.sem_alloc : memref<!tpu.dma_semaphore, #tpu.memory_space<semaphore_mem>>
        %dma_start3A_19 = tpu.memref_slice %arg3[%add3A_14] : memref<643072xi32, #tpu.memory_space<hbm>> -> memref<128xi32, #tpu.memory_space<hbm>>
        %dma_start3A_20 = tpu.memref_slice %arg3[%add3A_14] : memref<643072xi32, #tpu.memory_space<hbm>> -> memref<128xi32, #tpu.memory_space<hbm>>
        tpu.enqueue_dma source(%dma_start3A_20 : memref<128xi32, #tpu.memory_space<hbm>>) target(%arg8 : memref<128xi32, #tpu.memory_space<vmem>>) target_semaphore(%run_scoped3A : memref<!tpu.dma_semaphore, #tpu.memory_space<semaphore_mem>>)
        %dma_wait3A_21 = tpu.memref_slice %arg3[%add3A_14] : memref<643072xi32, #tpu.memory_space<hbm>> -> memref<128xi32, #tpu.memory_space<hbm>>
        %dma_wait3A_22 = tpu.memref_slice %arg3[%add3A_14] : memref<643072xi32, #tpu.memory_space<hbm>> -> memref<128xi32, #tpu.memory_space<hbm>>
        tpu.wait_dma2 semaphore(%run_scoped3A : memref<!tpu.dma_semaphore, #tpu.memory_space<semaphore_mem>>) src(%dma_wait3A_22 : memref<128xi32, #tpu.memory_space<hbm>>) dst(%arg8 : memref<128xi32, #tpu.memory_space<vmem>>)
        tpu.yield
      }) : () -> ()
      %dma_start3A = arith.constant 0 : i32
      %dma_start3A_15 = arith.constant 0 : i32
      %dma_start3A_16 = tpu.memref_slice %arg4[%dma_start3A, %dma_start3A_15] : memref<10000x128xf32, #tpu.memory_space<hbm>> -> memref<10000x128xf32, #tpu.memory_space<hbm>>
      tpu.enqueue_indirect_dma source(%dma_start3A_16 : memref<10000x128xf32, #tpu.memory_space<hbm>>) target(%arg9 : memref<128x128xf32, #tpu.memory_space<vmem>>) offsets(%arg7 : memref<128xi32, #tpu.memory_space<vmem>>) semaphore(%arg11 : memref<!tpu.dma_semaphore, #tpu.memory_space<semaphore_mem>>)
      %dma_wait3A = arith.constant 0 : i32
      %dma_wait3A_17 = arith.constant 0 : i32
      %dma_wait3A_18 = tpu.memref_slice %arg4[%dma_wait3A, %dma_wait3A_17] : memref<10000x128xf32, #tpu.memory_space<hbm>> -> memref<10000x128xf32, #tpu.memory_space<hbm>>
      tpu.wait_indirect_dma semaphore(%arg11 : memref<!tpu.dma_semaphore, #tpu.memory_space<semaphore_mem>>) src(%dma_wait3A_18 : memref<10000x128xf32, #tpu.memory_space<hbm>>) dst(%arg9 : memref<128x128xf32, #tpu.memory_space<vmem>>)
      "tpu.region"() ({
        %run_scoped3A = tpu.sem_alloc : memref<!tpu.dma_semaphore, #tpu.memory_space<semaphore_mem>>
        %dma_start3A_19 = arith.constant 0 : i32
        %dma_start3A_20 = arith.constant 0 : i32
        %dma_start3A_21 = tpu.memref_slice %arg10[%dma_start3A_19, %dma_start3A_20] : memref<10240x128xf32, #tpu.memory_space<vmem_shared>> -> memref<10240x128xf32, #tpu.memory_space<vmem_shared>>
        tpu.enqueue_indirect_dma source(%arg9 : memref<128x128xf32, #tpu.memory_space<vmem>>) target(%dma_start3A_21 : memref<10240x128xf32, #tpu.memory_space<vmem_shared>>) offsets(%arg8 : memref<128xi32, #tpu.memory_space<vmem>>) semaphore(%run_scoped3A : memref<!tpu.dma_semaphore, #tpu.memory_space<semaphore_mem>>) {add = true}
        %dma_wait3A_22 = arith.constant 0 : i32
        %dma_wait3A_23 = arith.constant 0 : i32
        %dma_wait3A_24 = tpu.memref_slice %arg10[%dma_wait3A_22, %dma_wait3A_23] : memref<10240x128xf32, #tpu.memory_space<vmem_shared>> -> memref<10240x128xf32, #tpu.memory_space<vmem_shared>>
        tpu.wait_indirect_dma semaphore(%run_scoped3A : memref<!tpu.dma_semaphore, #tpu.memory_space<semaphore_mem>>) src(%arg9 : memref<128x128xf32, #tpu.memory_space<vmem>>) dst(%dma_wait3A_24 : memref<10240x128xf32, #tpu.memory_space<vmem_shared>>)
        tpu.yield
      }) : () -> ()
    }
    %scan3A_7 = arith.constant 157 : i32
    %barrier3A_8 = arith.constant 0 : index
    tpu.barrier barrier_id(%barrier3A_8)
    "tpu.region"() ({
      %run_scoped3A = tpu.sem_alloc : memref<!tpu.dma_semaphore, #tpu.memory_space<semaphore_mem>>
      %dma_start3A = arith.constant 0 : i32
      %dma_start3A_9 = tpu.memref_slice %arg6[%arg0, %mul3A_2, %dma_start3A] : memref<2x10240x128xf32, #tpu.memory_space<hbm>> -> memref<1x640x128xf32, #tpu.memory_space<hbm>>
      %dma_start3A_10 = tpu.memref_squeeze %dma_start3A_9 : memref<1x640x128xf32, #tpu.memory_space<hbm>> -> memref<640x128xf32, #tpu.memory_space<hbm>>
      %dma_start3A_11 = arith.constant 0 : i32
      %dma_start3A_12 = tpu.memref_slice %arg10[%mul3A_2, %dma_start3A_11] : memref<10240x128xf32, #tpu.memory_space<vmem_shared>> -> memref<640x128xf32, #tpu.memory_space<vmem_shared>>
      tpu.enqueue_dma source(%dma_start3A_12 : memref<640x128xf32, #tpu.memory_space<vmem_shared>>) target(%dma_start3A_10 : memref<640x128xf32, #tpu.memory_space<hbm>>) target_semaphore(%run_scoped3A : memref<!tpu.dma_semaphore, #tpu.memory_space<semaphore_mem>>)
      %dma_wait3A = arith.constant 0 : i32
      %dma_wait3A_13 = tpu.memref_slice %arg6[%arg0, %mul3A_2, %dma_wait3A] : memref<2x10240x128xf32, #tpu.memory_space<hbm>> -> memref<1x640x128xf32, #tpu.memory_space<hbm>>
      %dma_wait3A_14 = tpu.memref_squeeze %dma_wait3A_13 : memref<1x640x128xf32, #tpu.memory_space<hbm>> -> memref<640x128xf32, #tpu.memory_space<hbm>>
      %dma_wait3A_15 = arith.constant 0 : i32
      %dma_wait3A_16 = tpu.memref_slice %arg10[%mul3A_2, %dma_wait3A_15] : memref<10240x128xf32, #tpu.memory_space<vmem_shared>> -> memref<640x128xf32, #tpu.memory_space<vmem_shared>>
      tpu.wait_dma2 semaphore(%run_scoped3A : memref<!tpu.dma_semaphore, #tpu.memory_space<semaphore_mem>>) src(%dma_wait3A_16 : memref<640x128xf32, #tpu.memory_space<vmem_shared>>) dst(%dma_wait3A_14 : memref<640x128xf32, #tpu.memory_space<hbm>>)
      tpu.yield
    }) : () -> ()
    return
  }
}

module attributes {stable_mosaic.version = 14 : i64} {
  func.func @_mm1_body(%arg0: i32, %arg1: memref<400x8710xf32, #tpu.memory_space<vmem>>, %arg2: memref<8710x128xf32, #tpu.memory_space<vmem>>, %arg3: memref<2x400x128xf32, #tpu.memory_space<vmem>>, %arg4: memref<400x128xf32, #tpu.memory_space<vmem>>) attributes {dimension_semantics = [#tpu.dimension_semantics<arbitrary>], iteration_bounds = array<i64: 25>, scalar_prefetch = 0 : i64, scratch_operands = 0 : i64, tpu.core_type = #tpu.core_type<tc>, window_params = [{transform_indices = @transform_0, window_bounds = array<i64: 400, 8710>}, {pipeline_mode = #tpu.pipeline_mode<synchronous>, transform_indices = @transform_1, window_bounds = array<i64: 8710, 128>}, {transform_indices = @transform_2, window_bounds = array<i64: 2, 400, 128>}, {transform_indices = @transform_3, window_bounds = array<i64: 400, 128>}]} {
    %get3A = arith.constant 0 : index
    %get3A_0 = arith.constant 0 : index
    %get3A_1 = vector.load %arg1[%get3A, %get3A_0] : memref<400x8710xf32, #tpu.memory_space<vmem>>, vector<400x8710xf32>
    %get3A_2 = arith.constant 0 : index
    %get3A_3 = arith.constant 0 : index
    %get3A_4 = vector.load %arg2[%get3A_2, %get3A_3] : memref<8710x128xf32, #tpu.memory_space<vmem>>, vector<8710x128xf32>
    %dot_general3A = arith.constant dense<0.000000e+00> : vector<400x128xf32>
    %dot_general3A_5 = tpu.matmul %get3A_1, %get3A_4, %dot_general3A {dimension_numbers = #tpu.dot_dimension_numbers<[1], [0], [0], [1], [0, 0, 1, 1], [], []>, transpose_lhs_hint = false} : vector<400x8710xf32>, vector<8710x128xf32>, vector<400x128xf32> -> vector<400x128xf32>
    %get3A_6 = arith.constant 0 : index
    %get3A_7 = arith.constant 0 : index
    %get3A_8 = arith.constant 0 : index
    %get3A_9 = vector.load %arg3[%get3A_6, %get3A_7, %get3A_8] : memref<2x400x128xf32, #tpu.memory_space<vmem>>, vector<2x400x128xf32>
    %slice3A = vector.extract_strided_slice %get3A_9 {offsets = [0, 0, 0], sizes = [1, 400, 1], strides = [1, 1, 1]} : vector<2x400x128xf32> to vector<1x400x1xf32>
    %squeeze3A = vector.shape_cast %slice3A : vector<1x400x1xf32> to vector<400x1xf32>
    %slice3A_10 = vector.extract_strided_slice %get3A_9 {offsets = [1, 0, 0], sizes = [1, 400, 1], strides = [1, 1, 1]} : vector<2x400x128xf32> to vector<1x400x1xf32>
    %squeeze3A_11 = vector.shape_cast %slice3A_10 : vector<1x400x1xf32> to vector<400x1xf32>
    %add3A = arith.addf %squeeze3A, %squeeze3A_11 : vector<400x1xf32>
    %add3A_12 = arith.constant 1.000000e+00 : f32
    %add3A_13 = vector.broadcast %add3A_12 : f32 to vector<400x1xf32>
    %add3A_14 = arith.addf %add3A, %add3A_13 : vector<400x1xf32>
    %rsqrt3A = math.rsqrt %add3A_14 : vector<400x1xf32>
    %mul3A = vector.broadcast %rsqrt3A : vector<400x1xf32> to vector<400x128xf32>
    %mul3A_15 = arith.mulf %dot_general3A_5, %mul3A : vector<400x128xf32>
    %swap3A = arith.constant 0 : index
    %swap3A_16 = arith.constant 0 : index
    %swap3A_17 = vector.load %arg4[%swap3A, %swap3A_16] : memref<400x128xf32, #tpu.memory_space<vmem>>, vector<400x128xf32>
    tpu.vector_store %arg4[%swap3A, %swap3A_16], %mul3A_15 {strides = array<i32>} : memref<400x128xf32, #tpu.memory_space<vmem>>, vector<400x128xf32>,
    return
  }
  func.func @transform_0(%arg0: i32) -> (i32, i32) {
    %c0_i32 = arith.constant 0 : i32
    %c0_i32_0 = arith.constant 0 : i32
    return %arg0, %c0_i32 : i32, i32
  }
  func.func @transform_1(%arg0: i32) -> (i32, i32) {
    %c0_i32 = arith.constant 0 : i32
    %c0_i32_0 = arith.constant 0 : i32
    %c0_i32_1 = arith.constant 0 : i32
    return %c0_i32, %c0_i32_0 : i32, i32
  }
  func.func @transform_2(%arg0: i32) -> (i32, i32, i32) {
    %c0_i32 = arith.constant 0 : i32
    %c0_i32_0 = arith.constant 0 : i32
    %c0_i32_1 = arith.constant 0 : i32
    return %c0_i32, %arg0, %c0_i32_0 : i32, i32, i32
  }
  func.func @transform_3(%arg0: i32) -> (i32, i32) {
    %c0_i32 = arith.constant 0 : i32
    %c0_i32_0 = arith.constant 0 : i32
    return %arg0, %c0_i32 : i32, i32
  }
}

module attributes {stable_mosaic.version = 14 : i64} {
  func.func @_fuse2_body(%arg0: i32, %arg1: memref<2x400x128xf32, #tpu.memory_space<vmem>>, %arg2: memref<400x128xf32, #tpu.memory_space<vmem>>, %arg3: memref<2x400x128xf32, #tpu.memory_space<vmem>>, %arg4: memref<1x128xf32, #tpu.memory_space<vmem>>, %arg5: memref<128x128xf32, #tpu.memory_space<vmem>>, %arg6: memref<400x128xf32, #tpu.memory_space<vmem>>) attributes {dimension_semantics = [#tpu.dimension_semantics<arbitrary>], iteration_bounds = array<i64: 25>, scalar_prefetch = 0 : i64, scratch_operands = 0 : i64, tpu.core_type = #tpu.core_type<tc>, window_params = [{transform_indices = @transform_0, window_bounds = array<i64: 2, 400, 128>}, {transform_indices = @transform_1, window_bounds = array<i64: 400, 128>}, {transform_indices = @transform_2, window_bounds = array<i64: 2, 400, 128>}, {pipeline_mode = #tpu.pipeline_mode<synchronous>, transform_indices = @transform_3, window_bounds = array<i64: 1, 128>}, {pipeline_mode = #tpu.pipeline_mode<synchronous>, transform_indices = @transform_4, window_bounds = array<i64: 128, 128>}, {transform_indices = @transform_5, window_bounds = array<i64: 400, 128>}]} {
    %get3A = arith.constant 0 : index
    %get3A_0 = arith.constant 0 : index
    %get3A_1 = arith.constant 0 : index
    %get3A_2 = vector.load %arg3[%get3A, %get3A_0, %get3A_1] : memref<2x400x128xf32, #tpu.memory_space<vmem>>, vector<2x400x128xf32>
    %slice3A = vector.extract_strided_slice %get3A_2 {offsets = [0, 0, 0], sizes = [1, 400, 1], strides = [1, 1, 1]} : vector<2x400x128xf32> to vector<1x400x1xf32>
    %squeeze3A = vector.shape_cast %slice3A : vector<1x400x1xf32> to vector<400x1xf32>
    %slice3A_3 = vector.extract_strided_slice %get3A_2 {offsets = [1, 0, 0], sizes = [1, 400, 1], strides = [1, 1, 1]} : vector<2x400x128xf32> to vector<1x400x1xf32>
    %squeeze3A_4 = vector.shape_cast %slice3A_3 : vector<1x400x1xf32> to vector<400x1xf32>
    %add3A = arith.addf %squeeze3A, %squeeze3A_4 : vector<400x1xf32>
    %add3A_5 = arith.constant 1.000000e+00 : f32
    %add3A_6 = vector.broadcast %add3A_5 : f32 to vector<400x1xf32>
    %add3A_7 = arith.addf %add3A, %add3A_6 : vector<400x1xf32>
    %rsqrt3A = math.rsqrt %add3A_7 : vector<400x1xf32>
    %get3A_8 = arith.constant 0 : index
    %get3A_9 = arith.constant 0 : index
    %get3A_10 = arith.constant 0 : index
    %get3A_11 = vector.load %arg1[%get3A_8, %get3A_9, %get3A_10] : memref<2x400x128xf32, #tpu.memory_space<vmem>>, vector<2x400x128xf32>
    %slice3A_12 = vector.extract_strided_slice %get3A_11 {offsets = [0, 0, 0], sizes = [1, 400, 128], strides = [1, 1, 1]} : vector<2x400x128xf32> to vector<1x400x128xf32>
    %squeeze3A_13 = vector.shape_cast %slice3A_12 : vector<1x400x128xf32> to vector<400x128xf32>
    %slice3A_14 = vector.extract_strided_slice %get3A_11 {offsets = [1, 0, 0], sizes = [1, 400, 128], strides = [1, 1, 1]} : vector<2x400x128xf32> to vector<1x400x128xf32>
    %squeeze3A_15 = vector.shape_cast %slice3A_14 : vector<1x400x128xf32> to vector<400x128xf32>
    %add3A_16 = arith.addf %squeeze3A_13, %squeeze3A_15 : vector<400x128xf32>
    %get3A_17 = arith.constant 0 : index
    %get3A_18 = arith.constant 0 : index
    %get3A_19 = vector.load %arg2[%get3A_17, %get3A_18] : memref<400x128xf32, #tpu.memory_space<vmem>>, vector<400x128xf32>
    %add3A_20 = arith.addf %add3A_16, %get3A_19 : vector<400x128xf32>
    %mul3A = vector.broadcast %rsqrt3A : vector<400x1xf32> to vector<400x128xf32>
    %mul3A_21 = arith.mulf %add3A_20, %mul3A : vector<400x128xf32>
    %get3A_22 = arith.constant 0 : index
    %get3A_23 = arith.constant 0 : index
    %get3A_24 = vector.load %arg4[%get3A_22, %get3A_23] : memref<1x128xf32, #tpu.memory_space<vmem>>, vector<1x128xf32>
    %add3A_25 = vector.broadcast %get3A_24 : vector<1x128xf32> to vector<400x128xf32>
    %add3A_26 = arith.addf %mul3A_21, %add3A_25 : vector<400x128xf32>
    %max3A = arith.constant 0.000000e+00 : f32
    %max3A_27 = vector.broadcast %max3A : f32 to vector<400x128xf32>
    %max3A_28 = arith.maximumf %add3A_26, %max3A_27 : vector<400x128xf32>
    %get3A_29 = arith.constant 0 : index
    %get3A_30 = arith.constant 0 : index
    %get3A_31 = vector.load %arg5[%get3A_29, %get3A_30] : memref<128x128xf32, #tpu.memory_space<vmem>>, vector<128x128xf32>
    %dot_general3A = arith.constant dense<0.000000e+00> : vector<400x128xf32>
    %dot_general3A_32 = tpu.matmul %max3A_28, %get3A_31, %dot_general3A {dimension_numbers = #tpu.dot_dimension_numbers<[1], [0], [0], [1], [0, 0, 1, 1], [], []>, transpose_lhs_hint = false} : vector<400x128xf32>, vector<128x128xf32>, vector<400x128xf32> -> vector<400x128xf32>
    %mul3A_33 = vector.broadcast %rsqrt3A : vector<400x1xf32> to vector<400x128xf32>
    %mul3A_34 = arith.mulf %dot_general3A_32, %mul3A_33 : vector<400x128xf32>
    %swap3A = arith.constant 0 : index
    %swap3A_35 = arith.constant 0 : index
    %swap3A_36 = vector.load %arg6[%swap3A, %swap3A_35] : memref<400x128xf32, #tpu.memory_space<vmem>>, vector<400x128xf32>
    tpu.vector_store %arg6[%swap3A, %swap3A_35], %mul3A_34 {strides = array<i32>} : memref<400x128xf32, #tpu.memory_space<vmem>>, vector<400x128xf32>,
    return
  }
  func.func @transform_0(%arg0: i32) -> (i32, i32, i32) {
    %c0_i32 = arith.constant 0 : i32
    %c0_i32_0 = arith.constant 0 : i32
    %c0_i32_1 = arith.constant 0 : i32
    return %c0_i32, %arg0, %c0_i32_0 : i32, i32, i32
  }
  func.func @transform_1(%arg0: i32) -> (i32, i32) {
    %c0_i32 = arith.constant 0 : i32
    %c0_i32_0 = arith.constant 0 : i32
    return %arg0, %c0_i32 : i32, i32
  }
  func.func @transform_2(%arg0: i32) -> (i32, i32, i32) {
    %c0_i32 = arith.constant 0 : i32
    %c0_i32_0 = arith.constant 0 : i32
    %c0_i32_1 = arith.constant 0 : i32
    return %c0_i32, %arg0, %c0_i32_0 : i32, i32, i32
  }
  func.func @transform_3(%arg0: i32) -> (i32, i32) {
    %c0_i32 = arith.constant 0 : i32
    %c0_i32_0 = arith.constant 0 : i32
    %c0_i32_1 = arith.constant 0 : i32
    return %c0_i32, %c0_i32_0 : i32, i32
  }
  func.func @transform_4(%arg0: i32) -> (i32, i32) {
    %c0_i32 = arith.constant 0 : i32
    %c0_i32_0 = arith.constant 0 : i32
    %c0_i32_1 = arith.constant 0 : i32
    return %c0_i32, %c0_i32_0 : i32, i32
  }
  func.func @transform_5(%arg0: i32) -> (i32, i32) {
    %c0_i32 = arith.constant 0 : i32
    %c0_i32_0 = arith.constant 0 : i32
    return %arg0, %c0_i32 : i32, i32
  }
}

module attributes {stable_mosaic.version = 14 : i64} {
  func.func @_fuse3_body(%arg0: i32, %arg1: memref<2x400x128xf32, #tpu.memory_space<vmem>>, %arg2: memref<400x128xf32, #tpu.memory_space<vmem>>, %arg3: memref<2x400x128xf32, #tpu.memory_space<vmem>>, %arg4: memref<1x128xf32, #tpu.memory_space<vmem>>, %arg5: memref<400x70xf32, #tpu.memory_space<vmem>>) attributes {dimension_semantics = [#tpu.dimension_semantics<arbitrary>], iteration_bounds = array<i64: 25>, scalar_prefetch = 0 : i64, scratch_operands = 0 : i64, tpu.core_type = #tpu.core_type<tc>, window_params = [{transform_indices = @transform_0, window_bounds = array<i64: 2, 400, 128>}, {transform_indices = @transform_1, window_bounds = array<i64: 400, 128>}, {transform_indices = @transform_2, window_bounds = array<i64: 2, 400, 128>}, {pipeline_mode = #tpu.pipeline_mode<synchronous>, transform_indices = @transform_3, window_bounds = array<i64: 1, 128>}, {transform_indices = @transform_4, window_bounds = array<i64: 400, 70>}]} {
    %get3A = arith.constant 0 : index
    %get3A_0 = arith.constant 0 : index
    %get3A_1 = arith.constant 0 : index
    %get3A_2 = vector.load %arg3[%get3A, %get3A_0, %get3A_1] : memref<2x400x128xf32, #tpu.memory_space<vmem>>, vector<2x400x128xf32>
    %slice3A = vector.extract_strided_slice %get3A_2 {offsets = [0, 0, 0], sizes = [1, 400, 1], strides = [1, 1, 1]} : vector<2x400x128xf32> to vector<1x400x1xf32>
    %squeeze3A = vector.shape_cast %slice3A : vector<1x400x1xf32> to vector<400x1xf32>
    %slice3A_3 = vector.extract_strided_slice %get3A_2 {offsets = [1, 0, 0], sizes = [1, 400, 1], strides = [1, 1, 1]} : vector<2x400x128xf32> to vector<1x400x1xf32>
    %squeeze3A_4 = vector.shape_cast %slice3A_3 : vector<1x400x1xf32> to vector<400x1xf32>
    %add3A = arith.addf %squeeze3A, %squeeze3A_4 : vector<400x1xf32>
    %add3A_5 = arith.constant 1.000000e+00 : f32
    %add3A_6 = vector.broadcast %add3A_5 : f32 to vector<400x1xf32>
    %add3A_7 = arith.addf %add3A, %add3A_6 : vector<400x1xf32>
    %rsqrt3A = math.rsqrt %add3A_7 : vector<400x1xf32>
    %get3A_8 = arith.constant 0 : index
    %get3A_9 = arith.constant 0 : index
    %get3A_10 = arith.constant 0 : index
    %get3A_11 = vector.load %arg1[%get3A_8, %get3A_9, %get3A_10] : memref<2x400x128xf32, #tpu.memory_space<vmem>>, vector<2x400x128xf32>
    %slice3A_12 = vector.extract_strided_slice %get3A_11 {offsets = [0, 0, 0], sizes = [1, 400, 128], strides = [1, 1, 1]} : vector<2x400x128xf32> to vector<1x400x128xf32>
    %squeeze3A_13 = vector.shape_cast %slice3A_12 : vector<1x400x128xf32> to vector<400x128xf32>
    %slice3A_14 = vector.extract_strided_slice %get3A_11 {offsets = [1, 0, 0], sizes = [1, 400, 128], strides = [1, 1, 1]} : vector<2x400x128xf32> to vector<1x400x128xf32>
    %squeeze3A_15 = vector.shape_cast %slice3A_14 : vector<1x400x128xf32> to vector<400x128xf32>
    %add3A_16 = arith.addf %squeeze3A_13, %squeeze3A_15 : vector<400x128xf32>
    %get3A_17 = arith.constant 0 : index
    %get3A_18 = arith.constant 0 : index
    %get3A_19 = vector.load %arg2[%get3A_17, %get3A_18] : memref<400x128xf32, #tpu.memory_space<vmem>>, vector<400x128xf32>
    %add3A_20 = arith.addf %add3A_16, %get3A_19 : vector<400x128xf32>
    %mul3A = vector.broadcast %rsqrt3A : vector<400x1xf32> to vector<400x128xf32>
    %mul3A_21 = arith.mulf %add3A_20, %mul3A : vector<400x128xf32>
    %get3A_22 = arith.constant 0 : index
    %get3A_23 = arith.constant 0 : index
    %get3A_24 = vector.load %arg4[%get3A_22, %get3A_23] : memref<1x128xf32, #tpu.memory_space<vmem>>, vector<1x128xf32>
    %add3A_25 = vector.broadcast %get3A_24 : vector<1x128xf32> to vector<400x128xf32>
    %add3A_26 = arith.addf %mul3A_21, %add3A_25 : vector<400x128xf32>
    %slice3A_27 = vector.extract_strided_slice %add3A_26 {offsets = [0, 0], sizes = [400, 70], strides = [1, 1]} : vector<400x128xf32> to vector<400x70xf32>
    %reduce_max3A = arith.constant dense<0xFF800000> : vector<400xf32>
    %reduce_max3A_28 = vector.multi_reduction <maximumf>, %slice3A_27, %reduce_max3A [1] : vector<400x70xf32> to vector<400xf32>
    %broadcast_in_dim3A = vector.shape_cast %reduce_max3A_28 : vector<400xf32> to vector<400x1xf32>
    %sub3A = vector.broadcast %broadcast_in_dim3A : vector<400x1xf32> to vector<400x70xf32>
    %sub3A_29 = arith.subf %slice3A_27, %sub3A : vector<400x70xf32>
    %exp3A = math.exp %sub3A_29 : vector<400x70xf32>
    %reduce_sum3A = arith.constant dense<0.000000e+00> : vector<400xf32>
    %reduce_sum3A_30 = vector.multi_reduction <add>, %exp3A, %reduce_sum3A [1] : vector<400x70xf32> to vector<400xf32>
    %broadcast_in_dim3A_31 = vector.shape_cast %reduce_sum3A_30 : vector<400xf32> to vector<400x1xf32>
    %div3A = vector.broadcast %broadcast_in_dim3A_31 : vector<400x1xf32> to vector<400x70xf32>
    %div3A_32 = arith.divf %exp3A, %div3A : vector<400x70xf32>
    %swap3A = arith.constant 0 : index
    %swap3A_33 = arith.constant 0 : index
    %swap3A_34 = vector.load %arg5[%swap3A, %swap3A_33] : memref<400x70xf32, #tpu.memory_space<vmem>>, vector<400x70xf32>
    tpu.vector_store %arg5[%swap3A, %swap3A_33], %div3A_32 {strides = array<i32>} : memref<400x70xf32, #tpu.memory_space<vmem>>, vector<400x70xf32>,
    return
  }
  func.func @transform_0(%arg0: i32) -> (i32, i32, i32) {
    %c0_i32 = arith.constant 0 : i32
    %c0_i32_0 = arith.constant 0 : i32
    %c0_i32_1 = arith.constant 0 : i32
    return %c0_i32, %arg0, %c0_i32_0 : i32, i32, i32
  }
  func.func @transform_1(%arg0: i32) -> (i32, i32) {
    %c0_i32 = arith.constant 0 : i32
    %c0_i32_0 = arith.constant 0 : i32
    return %arg0, %c0_i32 : i32, i32
  }
  func.func @transform_2(%arg0: i32) -> (i32, i32, i32) {
    %c0_i32 = arith.constant 0 : i32
    %c0_i32_0 = arith.constant 0 : i32
    %c0_i32_1 = arith.constant 0 : i32
    return %c0_i32, %arg0, %c0_i32_0 : i32, i32, i32
  }
  func.func @transform_3(%arg0: i32) -> (i32, i32) {
    %c0_i32 = arith.constant 0 : i32
    %c0_i32_0 = arith.constant 0 : i32
    %c0_i32_1 = arith.constant 0 : i32
    return %c0_i32, %c0_i32_0 : i32, i32
  }
  func.func @transform_4(%arg0: i32) -> (i32, i32) {
    %c0_i32 = arith.constant 0 : i32
    %c0_i32_0 = arith.constant 0 : i32
    return %arg0, %c0_i32 : i32, i32
  }
}

</mosaic_0001>

<sc_bundles>
// kernel: kernel.11.cloned.1.call-start
scs
__scs_entry_jumppad:
0x0: {  	(pc) =	sbr.rel $0x88, $3  }
0x1: {  	(tag) =	ssettag $0x0;
	lr =	simm.s32 $0x1  }
0x2: {  	[smem:$0x3F9B] =	sst lr;
	_ =	strace $0xD0000000  }
0x3: {  	_ = 	snop  }
0x4: {  	_ = 	snop  }
0x5: {  	_ = 	snop  }
0x6: {  	_ = 	snop  }
0x7: {  	_ = 	snop  }
__scs_overlays_trampoline_lowered:
0x8: {  	[smem:$0x3FAA] =	sst s0  }
0x9: {  	[smem:$0x3FAB] =	sst s1  }
0xa: {  	[smem:$0x3FAC] =	sst s2  }
0xb: {  	[smem:$0x3FAD] =	sst s3  }
0xc: {  	[smem:$0x3FAE] =	sst s4  }
0xd: {  	[smem:$0x3FAF] =	sst s5  }
0xe: {  	[smem:$0x3FB0] =	sst s6  }
0xf: {  	[smem:$0x3FB1] =	sst s7  }
0x10: {  	[smem:$0x3FB2] =	sst s8  }
0x11: {  	[smem:$0x3FB3] =	sst s9;
	s0 =	simm.s32 @!p0 $0x0  }
0x12: {  	s1 =	sld [smem:$0x3F99];
	s0 =	simm.s32 @p0 $0x1  }
0x13: {  	[smem:$0x3FB4] =	sst s0;
	s0 =	simm.s32 @!p1 $0x0  }
0x14: {  	s2 =	sld [smem:$0x3F98];
	s0 =	simm.s32 @p1 $0x1  }
0x15: {  	[smem:$0x3FB5] =	sst s0;
	s0 =	simm.s32 @!p2 $0x0  }
0x16: {  	s3 =	sld [smem:$0x3FDB];
	s0 =	simm.s32 @p2 $0x1  }
0x17: {  	s4 =	simm.s32 $0x1BF5;
	[smem:$0x3FB7] =	sst s0  }
0x18: {  	s0 =	sld [smem:$0x3F9A];
	_ =	swait.ge [sflag:s4], $0x0  }
0x19: {  	s7 =	sld [smem:$0x3F9B]  }
0x1a: {  	s8 =	sadd.s32 $0xFFFFE003, lr  }
0x1b: {  	s9 =	sadd.s32 $0xFFFFFEF7, lr;
	s5 =	simm.s32 $0xFFFFFFFF;
	p2 =	slt.u32 s8, $0xFFFFF086  }
0x1c: {  	p1 =	slt.u32 s9, $0xF7A;
	s5 =	simm.s32 @!p2 $0x0  }
0x1d: {  	s5 =	simm.s32 @p1 $0x1;
	p0 =	seq.s32 s7, s2  }
0x1e: {  	s7 =	smul.u32 @!p0 $0xF7A, s2;
	p2 =	seq.s32 @!p0 s5, $0x0  }
0x1f: {  	s9 =	smul.u32 $0xF7A, s1;
	s8 =	simm.s32 @!p0 $0x1BF5;
	p2 =	por !p2, p0  }
0x20: {  	[sflag:s8] =	ssyncset.s32 @!p0 $0xFFFFF086;
	s6 =	sadd.s32 @!p0 s3, s7;
	s7 =	simm.s32 @!p0 $0x108  }
0x21: {  	s3 =	sadd.s32 s3, s9;
	s6 =	sadd.s32 @!p0 $0x88, s6;
	s7 =	simm.s32 @p2 $0x1082  }
0x22: {  	[simem:s7], [sflag:s8] =	dma.local @!p0 [hbm:s6], $0xF7A  }
0x23: {  	s9 =	sor.u32 $0xD0000000, s2;
	s6 =	simm.s32 $0x108;
	_ =	swait.ge @!p0 [sflag:s8], $0x0  }
0x24: {  	s3 =	sadd.s32 $0x88, s3;
	s6 =	simm.s32 @!p1 $0x1082;
	[sflag:s4] =	ssyncset.s32 $0xFFFFF086  }
0x25: {  	[simem:s6], [sflag:s4] =	dma.local [hbm:s3], $0xF7A  }
0x26: {  	[smem:$0x3F9B] =	sst s1;
	(tag) =	ssettag s2;
	_ =	strace s9  }
0x27: {  	s1 =	sld [smem:$0x3FAB]  }
0x28: {  	s2 =	sld [smem:$0x3FAC]  }
0x29: {  	s4 =	sld [smem:$0x3FAE]  }
0x2a: {  	p0 =	seq.s32 s5, $0x0;
	s5 =	sld [smem:$0x3FAF]  }
0x2b: {  	s6 =	sld [smem:$0x3FB0]  }
0x2c: {  	s7 =	sld [smem:$0x3FB1]  }
0x2d: {  	s3 =	simm.s32 $0x108;
	s8 =	sld [smem:$0x3FB2]  }
0x2e: {  	s3 =	simm.s32 @!p0 $0x1082;
	s9 =	sld [smem:$0x3FB3]  }
0x2f: {  	lr =	sadd.s32 s0, s3;
	s0 =	sld [smem:$0x3FAA]  }
0x30: {  	s3 =	sld [smem:$0x3FAD]  }
0x31: {  	[smem:$0x3FB6] =	sst s10  }
0x32: {  	s10 =	sld [smem:$0x3FB4];
	_ =	sdelay $0x3  }
0x33: {  	p0 =	seq.s32 s10, $0x1;
	s10 =	sld [smem:$0x3FB6];
	_ =	sdelay $0x3  }
0x34: {  	[smem:$0x3FB6] =	sst s10  }
0x35: {  	s10 =	sld [smem:$0x3FB5];
	_ =	sdelay $0x3  }
0x36: {  	p1 =	seq.s32 s10, $0x1;
	s10 =	sld [smem:$0x3FB6];
	_ =	sdelay $0x3  }
0x37: {  	[smem:$0x3FB6] =	sst s10  }
0x38: {  	s10 =	sld [smem:$0x3FB7]  }
0x39: {  	_ = 	snop;
	(pc) =	sbr.ind lr, $3  }
0x3a: {  	_ = 	snop  }
0x3b: {  	_ = 	snop  }
0x3c: {  	p2 =	seq.s32 s10, $0x1;
	s10 =	sld [smem:$0x3FB6]  }
0x3d: {  	_ =	shalt  }
0x3e: {  	_ =	shalt  }
0x3f: {  	_ =	shalt  }
0x40: {  	_ =	shalt  }
0x41: {  	_ =	shalt  }
0x42: {  	_ =	shalt  }
0x43: {  	_ =	shalt  }
0x44: {  	_ =	shalt  }
0x45: {  	_ =	shalt  }
0x46: {  	_ =	shalt  }
0x47: {  	_ =	shalt  }
0x48: {  	_ =	shalt  }
0x49: {  	_ =	shalt  }
0x4a: {  	_ =	shalt  }
0x4b: {  	_ =	shalt  }
0x4c: {  	_ =	shalt  }
0x4d: {  	_ =	shalt  }
0x4e: {  	_ =	shalt  }
0x4f: {  	_ =	shalt  }
0x50: {  	_ =	shalt  }
0x51: {  	_ =	shalt  }
0x52: {  	_ =	shalt  }
0x53: {  	_ =	shalt  }
0x54: {  	_ =	shalt  }
0x55: {  	_ =	shalt  }
0x56: {  	_ =	shalt  }
0x57: {  	_ =	shalt  }
0x58: {  	_ =	shalt  }
0x59: {  	_ =	shalt  }
0x5a: {  	_ =	shalt  }
0x5b: {  	_ =	shalt  }
0x5c: {  	_ =	shalt  }
0x5d: {  	_ =	shalt  }
0x5e: {  	_ =	shalt  }
0x5f: {  	_ =	shalt  }
0x60: {  	_ =	shalt  }
0x61: {  	_ =	shalt  }
0x62: {  	_ =	shalt  }
0x63: {  	_ =	shalt  }
0x64: {  	_ =	shalt  }
0x65: {  	_ =	shalt  }
0x66: {  	_ =	shalt  }
0x67: {  	_ =	shalt  }
0x68: {  	_ =	shalt  }
0x69: {  	_ =	shalt  }
0x6a: {  	_ =	shalt  }
0x6b: {  	_ =	shalt  }
0x6c: {  	_ =	shalt  }
0x6d: {  	_ =	shalt  }
0x6e: {  	_ =	shalt  }
0x6f: {  	_ =	shalt  }
0x70: {  	_ =	shalt  }
0x71: {  	_ =	shalt  }
0x72: {  	_ =	shalt  }
0x73: {  	_ =	shalt  }
0x74: {  	_ =	shalt  }
0x75: {  	_ =	shalt  }
0x76: {  	_ =	shalt  }
0x77: {  	_ =	shalt  }
0x78: {  	_ =	shalt  }
0x79: {  	_ =	shalt  }
0x7a: {  	_ =	shalt  }
0x7b: {  	_ =	shalt  }
0x7c: {  	_ =	shalt  }
0x7d: {  	_ =	shalt  }
0x7e: {  	_ =	shalt  }
0x7f: {  	_ =	shalt  }
0x80: {  	_ =	shalt  }
0x81: {  	_ =	shalt  }
0x82: {  	_ =	shalt  }
0x83: {  	_ =	shalt  }
0x84: {  	_ =	shalt  }
0x85: {  	_ =	shalt  }
0x86: {  	_ =	shalt  }
0x87: {  	_ =	shalt  }
.Lfunc_end0:
.L_simem_size_0:
called_computation.1_lowered:
.L_overlay_start_0:
0x88: {  	s2 =	sld [smem:$0x3FD9]  }
0x89: {  	s3 =	sld [smem:$0x3FFE];
	_ =	sdelay $0x1  }
0x8a: {  	s1 =	srdreg.scid  }
0x8b: {  	s0 =	sand.u32 $0x1, s1  }
0x8c: {  	s17 =	sshll.u32 s0, $0xA;
	s2 =	sadd.s32 s3, s2  }
0x8d: {  	s2 =	sadd.s32 s2, s17  }
0x8e: {  	[smem:$0x3FC2] =	sst s2  }
0x8f: {  	_ = 	snop  }
0x90: {  	s2 =	sld [smem:$0x3FD0];
	(tm) =	ssettm $0x1  }
0x91: {  	s18 =	sld [smem:$0x3FFB];
	_ =	sdelay $0x3  }
0x92: {  	_ =	strace s18  }
0x93: {  	s3 =	sld [smem:$0x3FFC];
	_ =	sdelay $0x3  }
0x94: {  	_ =	strace s3  }
0x95: {  	s3 =	sld [smem:$0x3FFD];
	_ =	sdelay $0x3  }
0x96: {  	_ =	strace s3  }
0x97: {  	_ =	strace $0x8FFFFFFF  }
0x98: {  	s19 =	sld [smem:$0x3FDB];
	_ =	sdelay $0x1  }
0x99: {  	s4 =	simm.s32 $_scs_section_size  }
0x9a: {  	s5 =	simm.s32 $_size__tile_overlayer_lowered;
	s6 =	simm.s32 $_tile_overlayer_lowered  }
0x9b: {  	s22 =	simm.s32 $0x1BFF;
	s21 =	sshll.u32 s6, $0x1;
	s3 =	sadd.s32 s4, s19  }
0x9c: {  	s7 =	simm.s32 $0x0;
	s20 =	sshll.u32 s5, $0x1;
	s5 =	sadd.s32 s21, s3  }
0x9d: {  	[timem:s7], [sflag:s22] =	dma.local [hbm:s5], s20  }
0x9e: {  	_ =	swait.ge [sflag:s22], s20  }
0x9f: {  	s4 =	ssub.s32 $0x0, s20;
	[sflag:s22] =	ssyncset.done $0x0  }
0xa0: {  	[sflag:s22] =	ssyncadd.s32 s4;
	_ =	sdelay $0x1  }
0xa1: {  	s23 =	simm.s32 $0x1B8B  }
0xa2: {  	_ =	swait.ge [sflag:s23], $0x1  }
0xa3: {  	[sflag:s23] =	ssyncset.done $0x0  }
0xa4: {  	s25 =	simm.s32 $0x1B8E;
	s24 =	sld [smem:$0x3FFE];
	[sflag:s23] =	ssyncadd.s32 $0xFFFFFFFF  }
0xa5: {  	s26 =	simm.s32 $execute0_lowered;
	[smem:$0x3FD2] =	sst s25  }
0xa6: {  	s5 =	sshll.u32 s26, $0x1;
	_ =	strace $0x80000049;
	[dreg:$0x1] =	wrdreg $0xFFFFFFFF  }
0xa7: {  	s28 =	simm.s32 $_size_execute0_lowered;
	s3 =	sadd.s32 s3, s5;
	[dreg:$0x0] =	wrdreg $0x0  }
0xa8: {  	s5 =	sshll.u32 s28, $0x1;
	[dreg:$0x2] =	wrdreg s3  }
0xa9: {  	[dreg:$0x3] =	wrdreg s5  }
0xaa: {  	[dreg:$0x4] =	wrdreg $0xC0  }
0xab: {  	_ =	task [dreg:s7], $0x5FFFF  }
0xac: {  	[dreg:$0x1] =	wrdreg $0xFFFFFFFF  }
0xad: {  	[dreg:$0x0] =	wrdreg $0x60  }
0xae: {  	[dreg:$0x2] =	wrdreg s2  }
0xaf: {  	[dreg:$0x3] =	wrdreg s24  }
0xb0: {  	[dreg:$0x4] =	wrdreg $0x41000  }
0xb1: {  	[dreg:$0x5] =	wrdreg $0x9  }
0xb2: {  	_ =	task.clear_ibuf [dreg:s7], $0x6FFFF;
	_ =	strace $0x90000049  }
0xb3: {  	s29 =	simm.s32 $0x9;
	_ =	strace $0x8000004B  }
0xb4: {  	_ =	swait.ge [sflag:s29], $0x1  }
0xb5: {  	[sflag:s29] =	ssyncadd.s32 $0xFFFFFFFF  }
0xb6: {  	_ =	strace $0x9000004B  }
0xb7: {  	_ =	sfence  }
0xb8: {  	s30 =	sld [smem:$0x0];
	_ =	sdelay $0x2  }
0xb9: {  	s31 =	sshll.u32 s1, $0xD;
	s1 =	sshrl.u32 s1, $0x2  }
0xba: {  	s3 =	sand.u32 $0x4000, s31;
	s1 =	sadd.s32 s1, s30  }
0xbb: {  	s0 =	sor.u32 s3, s0;
	s1 =	sshll.u32 s1, $0x11  }
0xbc: {  	s0 =	sor.u32 s1, s0  }
0xbd: {  	s0 =	sadd.s32 $0x8F2B, s0  }
0xbe: {  	[sflag:s0] =	ssyncadd.remote.s32 $0x1  }
0xbf: {  	_ =	sfence.sel $0xFFFF  }
0xc0: {  	[dreg:$0x0] =	wrdreg $0xFFFFFFFF;
	(pc) =	sbr.abs _section_cstart, $3  }
0xc1: {  	[dreg:$0x1] =	wrdreg $0xFFFFFFFF  }
0xc2: {  	_ =	task.clear_ibuf [dreg:s7], $0x2FFFF;
	_ =	strace $0x9FFFFFFF  }
0xc3: {  	(tm) =	ssettm $0x7FFFFFFF  }
tec
execute0_lowered:
.L_overlay_start_1:
0x0: {  	(tag) =	ssettag $0x1  }
0x1: {  	s8 =	rddreg [dreg:$0x0]  }
0x2: {  	s5 =	rddreg [dreg:$0x1]  }
0x3: {  	s0 =	srdreg.scid;
	s1 =	stileid.u32  }
0x4: {  	s2 =	rddreg [dreg:$0x2];
	s7 =	smul.u32 $0x14000, s1  }
0x5: {  	s3 =	simm.s32 $0x0;
	s15 =	simm.s32 $0x1;
	s13 =	smul.u32 $0x50000, s1  }
0x6: {  	s6 =	sand.u32 $0x1, s0;
	s0 =	rddreg [dreg:$0x3];
	s30 =	smul.u32 $0x9D0, s1  }
0x7: {  	s16 =	simm.s32 $0x0;
	[smem:$0x7FF] =	sst s3;
	s9 =	smul.u32 $0x9D00, s6  }
0x8: {  	s4 =	sadd.s32 $0x8E800, s5;
	s29 =	sshll.u32 s1, $0x6;
	s10 =	smul.u32 $0x140000, s6  }
0x9: {  	_ =	strace $0x8000004A;
	s6 =	ssub.s32 $0x2, s6;
	s12 =	sshrl.u32 s7, $0x3  }
0xa: {  	s26 =	sshrl.u32 s6, $0x1;
	s28 =	sshrl.u32 s13, $0x2;
	s13 =	simm.s32 $0x80  }
0xb: {  	s11 =	sadd.s32 s9, s5;
	s7 =	sadd.s32 s7, s10;
	s12 =	sadd.s32 s12, s5  }
0xc: {  	s10 =	ssub.s32 s6, s26;
	s14 =	sadd.s32 s28, s2;
	s6 =	sor.u32 $0x1C02, s29  }
0xd: {  	s31 =	sadd.s32 s9, s8;
	s7 =	sshrl.u32 s7, $0x3;
	s11 =	sadd.s32 s30, s11  }
0xe: {  	s8 =	smax.u32 s10, $0x1;
	s10 =	sadd.s32 s30, s31;
	s7 =	sadd.s32 s7, s5  }
0xf: {  	s5 =	sadd.s32 $0x16000, s12;
	s9 =	sadd.s32 $0x2600, s11;
	s11 =	sshrl.u32 s14, $0x3  }
0x10: {  	s12 =	simm.s32 $0x2;
	s14 =	simm.s32 $0x100;
	s7 =	sadd.s32 $0xB5A00, s7  }
.LBB2_1:
0x11: {  	[spmem:s11], [sflag:s6] =	dma.local [hbm:s5], $0x2800  }
0x12: {  	_ =	swait.ge [sflag:s12], $0x2800  }
0x13: {  	[sflag:s12] =	ssyncset.done $0x0  }
0x14: {  	[sflag:s12] =	ssyncadd.s32 $0xFFFFD800  }
0x15: {  	s17 =	sadd.s32 $0x0, s10;
	[bflag:$0x0] =	sbarrier.arrive $0xFFFF  }
0x16: {  	[tilespmem:s3], [sflag:$0x2] =	stream.linear.gather [hbm4b:s17+s3], $0x80, $0x38;
	[tilespmem:$0x18100] =	vst v63  }
0x17: {  	_ =	swait.ge [sflag:s12], $0x80  }
0x18: {  	[sflag:s12] =	ssyncset.done $0x0  }
0x19: {  	s31 =	sadd.s32 $0x0, s9;
	[sflag:s12] =	ssyncadd.s32 $0xFFFFFF80  }
0x1a: {  	[tilespmem:s13], [sflag:$0x2] =	stream.linear.gather [hbm4b:s31+s3], $0x80, $0x38;
	[tilespmem:$0x18100] =	vst v63  }
0x1b: {  	_ =	swait.ge [sflag:s12], $0x80  }
0x1c: {  	[sflag:s12] =	ssyncset.done $0x0  }
0x1d: {  	[sflag:s12] =	ssyncadd.s32 $0xFFFFFF80  }
0x1e: {  	[tilespmem:s14], [sflag:$0x1] =	stream.indirect.gather [hbm4b:s4+s13], $0x80, s3, s13, $0xb8;
	[tilespmem:$0x18100] =	vst v63  }
0x1f: {  	_ =	swait.ge [sflag:s15], $0x4000  }
0x20: {  	[sflag:s15] =	ssyncset.done $0x0  }
0x21: {  	[sflag:s15] =	ssyncadd.s32 $0xFFFFC000  }
0x22: {  	[spmem:s2] =	stream.indirect.scatter.add.f32 [tilespmem:s14], [sflag:$0x2], $0x80, s13, s13, $0xb8;
	[tilespmem:$0x18100] =	vst v63  }
0x23: {  	_ =	swait.ge [sflag:s12], $0x4000  }
0x24: {  	s18 =	simm.s32 $0x20;
	s17 =	simm.s32 $0x10;
	[sflag:s12] =	ssyncset.done $0x0  }
.LBB2_2:
0x25: {  	s19 =	sadd.s32 s17, s10  }
0x26: {  	[sflag:s12] =	ssyncadd.s32 $0xFFFFC000;
	s20 =	smov.u32 s18;
	s21 =	sadd.s32 $0x10, s18  }
0x27: {  	[tilespmem:s3], [sflag:$0x2] =	stream.linear.gather [hbm4b:s19+s3], $0x80, $0x38;
	[tilespmem:$0x18100] =	vst v63  }
0x28: {  	p0 =	sne.s32 s18, $0x9C0;
	_ =	swait.ge [sflag:s12], $0x80  }
0x29: {  	[sflag:s12] =	ssyncset.done $0x0  }
0x2a: {  	s18 =	sadd.s32 s17, s9;
	s17 =	smov.u32 s20;
	[sflag:s12] =	ssyncadd.s32 $0xFFFFFF80  }
0x2b: {  	[tilespmem:s13], [sflag:$0x2] =	stream.linear.gather [hbm4b:s18+s3], $0x80, $0x38;
	[tilespmem:$0x18100] =	vst v63  }
0x2c: {  	_ =	swait.ge [sflag:s12], $0x80  }
0x2d: {  	[sflag:s12] =	ssyncset.done $0x0  }
0x2e: {  	[sflag:s12] =	ssyncadd.s32 $0xFFFFFF80  }
0x2f: {  	[tilespmem:s14], [sflag:$0x1] =	stream.indirect.gather [hbm4b:s4+s13], $0x80, s3, s13, $0xb8;
	[tilespmem:$0x18100] =	vst v63  }
0x30: {  	_ =	swait.ge [sflag:s15], $0x4000  }
.Ltmp0:
0x31: {  	[sflag:s15] =	ssyncset.done $0x0;
	(pc) =	sbr.rel @p0 .LBB2_2-.Ltmp0, $4  }
0x32: {  	[sflag:s15] =	ssyncadd.s32 $0xFFFFC000  }
0x33: {  	[spmem:s2] =	stream.indirect.scatter.add.f32 [tilespmem:s14], [sflag:$0x2], $0x80, s13, s13, $0xb8;
	[tilespmem:$0x18100] =	vst v63  }
0x34: {  	_ =	swait.ge [sflag:s12], $0x4000  }
0x35: {  	s18 =	smov.u32 s21;
	[sflag:s12] =	ssyncset.done $0x0  }
0x36: {  	s18 =	sadd.s32 s17, s10;
	[sflag:s12] =	ssyncadd.s32 $0xFFFFC000  }
0x37: {  	[tilespmem:s3], [sflag:$0x2] =	stream.linear.gather [hbm4b:s18+s3], $0x80, $0x38;
	[tilespmem:$0x18100] =	vst v63  }
0x38: {  	_ =	swait.ge [sflag:s12], $0x80  }
0x39: {  	[sflag:s12] =	ssyncset.done $0x0  }
0x3a: {  	s31 =	sadd.s32 s17, s9;
	[sflag:s12] =	ssyncadd.s32 $0xFFFFFF80  }
0x3b: {  	[tilespmem:s13], [sflag:$0x2] =	stream.linear.gather [hbm4b:s31+s3], $0x80, $0x38;
	[tilespmem:$0x18100] =	vst v63  }
0x3c: {  	_ =	swait.ge [sflag:s12], $0x80  }
0x3d: {  	[sflag:s12] =	ssyncset.done $0x0  }
0x3e: {  	[sflag:s12] =	ssyncadd.s32 $0xFFFFFF80  }
0x3f: {  	[tilespmem:s14], [sflag:$0x1] =	stream.indirect.gather [hbm4b:s4+s13], $0x80, s3, s13, $0xb8;
	[tilespmem:$0x18100] =	vst v63  }
0x40: {  	_ =	swait.ge [sflag:s15], $0x4000  }
0x41: {  	[sflag:s15] =	ssyncset.done $0x0  }
0x42: {  	[sflag:s15] =	ssyncadd.s32 $0xFFFFC000  }
0x43: {  	[spmem:s2] =	stream.indirect.scatter.add.f32 [tilespmem:s14], [sflag:$0x2], $0x80, s13, s13, $0xb8;
	[tilespmem:$0x18100] =	vst v63  }
0x44: {  	_ =	swait.ge [sflag:s12], $0x4000  }
0x45: {  	s16 =	sadd.s32 $0x1, s16;
	[sflag:s12] =	ssyncset.done $0x0  }
0x46: {  	p0 =	sne.s32 s16, s8;
	[sflag:s12] =	ssyncadd.s32 $0xFFFFC000  }
.Ltmp1:
0x47: {  	[bflag:$0x0] =	sbarrier.arrive $0xFFFF;
	(pc) =	sbr.rel @p0 .LBB2_1-.Ltmp1, $4  }
0x48: {  	[hbm:s7], [sflag:s6] =	dma.local [spmem:s11], $0x2800  }
0x49: {  	_ =	swait.ge [sflag:s12], $0x2800  }
0x4a: {  	[sflag:s12] =	ssyncset.done $0x0  }
0x4b: {  	[sflag:s12] =	ssyncadd.s32 $0xFFFFD800  }
0x4c: {  	_ =	sfence.sel $0x180000  }
0x4d: {  	[bflag:$0x0] =	sbarrier.arrive $0xFFFF  }
0x4e: {  	p0 =	sne.s32 s1, $0x0;
	_ =	strace $0x9000004A  }
0x4f: {  	s0 =	sadd.s32 @!p0 $0x100000, s0;
	[bflag:$0x2] =	sbarrier.arrive $0xFFFF  }
0x50: {  	[sflag:s0] =	ssyncadd.tile.s32 @!p0 $0x1;
	_ =	shalt  }
.Lfunc_end2:
_tile_overlayer_lowered:
.L_overlay_start_2:
0x51: {  	(tag) =	ssettag $0x2  }
0x52: {  	s0 =	rddreg [dreg:$0x0];
	s2 =	stileid.u32  }
0x53: {  	s1 =	rddreg [dreg:$0x1];
	p0 =	sne.s32 s2, $0x0  }
0x54: {  	s3 =	rddreg [dreg:$0x2];
	[bflag:$0x3] =	sbarrier.arrive $0xFFFF;
	s2 =	simm.s32 @!p0 $0x1C02  }
0x55: {  	[timem:s3], [sflag:s2] =	dma.local @!p0 [hbm:s0], s1  }
0x56: {  	s0 =	simm.s32 @!p0 $0x2  }
0x57: {  	_ =	swait.ge @!p0 [sflag:s0], s1  }
0x58: {  	s1 =	ssub.s32 @!p0 $0x0, s1;
	[sflag:s0] =	ssyncset.done @!p0 $0x0  }
0x59: {  	[sflag:s0] =	ssyncadd.s32 @!p0 s1  }
0x5a: {  	[bflag:$0x3] =	sbarrier.arrive $0xFFFF  }
0x5b: {  	_ =	shalt  }

// kernel: kernel.14.cloned.1.call-start
scs
__scs_entry_jumppad:
0x0: {  	(pc) =	sbr.rel $0x88, $3  }
0x1: {  	(tag) =	ssettag $0x0;
	lr =	simm.s32 $0x1  }
0x2: {  	[smem:$0x3F9B] =	sst lr;
	_ =	strace $0xD0000000  }
0x3: {  	_ = 	snop  }
0x4: {  	_ = 	snop  }
0x5: {  	_ = 	snop  }
0x6: {  	_ = 	snop  }
0x7: {  	_ = 	snop  }
__scs_overlays_trampoline_lowered:
0x8: {  	[smem:$0x3FAA] =	sst s0  }
0x9: {  	[smem:$0x3FAB] =	sst s1  }
0xa: {  	[smem:$0x3FAC] =	sst s2  }
0xb: {  	[smem:$0x3FAD] =	sst s3  }
0xc: {  	[smem:$0x3FAE] =	sst s4  }
0xd: {  	[smem:$0x3FAF] =	sst s5  }
0xe: {  	[smem:$0x3FB0] =	sst s6  }
0xf: {  	[smem:$0x3FB1] =	sst s7  }
0x10: {  	[smem:$0x3FB2] =	sst s8  }
0x11: {  	[smem:$0x3FB3] =	sst s9;
	s0 =	simm.s32 @!p0 $0x0  }
0x12: {  	s1 =	sld [smem:$0x3F99];
	s0 =	simm.s32 @p0 $0x1  }
0x13: {  	[smem:$0x3FB4] =	sst s0;
	s0 =	simm.s32 @!p1 $0x0  }
0x14: {  	s2 =	sld [smem:$0x3F98];
	s0 =	simm.s32 @p1 $0x1  }
0x15: {  	[smem:$0x3FB5] =	sst s0;
	s0 =	simm.s32 @!p2 $0x0  }
0x16: {  	s3 =	sld [smem:$0x3FDB];
	s0 =	simm.s32 @p2 $0x1  }
0x17: {  	s4 =	simm.s32 $0x1BF5;
	[smem:$0x3FB7] =	sst s0  }
0x18: {  	s0 =	sld [smem:$0x3F9A];
	_ =	swait.ge [sflag:s4], $0x0  }
0x19: {  	s7 =	sld [smem:$0x3F9B]  }
0x1a: {  	s8 =	sadd.s32 $0xFFFFE003, lr  }
0x1b: {  	s9 =	sadd.s32 $0xFFFFFEF7, lr;
	s5 =	simm.s32 $0xFFFFFFFF;
	p2 =	slt.u32 s8, $0xFFFFF086  }
0x1c: {  	p1 =	slt.u32 s9, $0xF7A;
	s5 =	simm.s32 @!p2 $0x0  }
0x1d: {  	s5 =	simm.s32 @p1 $0x1;
	p0 =	seq.s32 s7, s2  }
0x1e: {  	s7 =	smul.u32 @!p0 $0xF7A, s2;
	p2 =	seq.s32 @!p0 s5, $0x0  }
0x1f: {  	s9 =	smul.u32 $0xF7A, s1;
	s8 =	simm.s32 @!p0 $0x1BF5;
	p2 =	por !p2, p0  }
0x20: {  	[sflag:s8] =	ssyncset.s32 @!p0 $0xFFFFF086;
	s6 =	sadd.s32 @!p0 s3, s7;
	s7 =	simm.s32 @!p0 $0x108  }
0x21: {  	s3 =	sadd.s32 s3, s9;
	s6 =	sadd.s32 @!p0 $0x88, s6;
	s7 =	simm.s32 @p2 $0x1082  }
0x22: {  	[simem:s7], [sflag:s8] =	dma.local @!p0 [hbm:s6], $0xF7A  }
0x23: {  	s9 =	sor.u32 $0xD0000000, s2;
	s6 =	simm.s32 $0x108;
	_ =	swait.ge @!p0 [sflag:s8], $0x0  }
0x24: {  	s3 =	sadd.s32 $0x88, s3;
	s6 =	simm.s32 @!p1 $0x1082;
	[sflag:s4] =	ssyncset.s32 $0xFFFFF086  }
0x25: {  	[simem:s6], [sflag:s4] =	dma.local [hbm:s3], $0xF7A  }
0x26: {  	[smem:$0x3F9B] =	sst s1;
	(tag) =	ssettag s2;
	_ =	strace s9  }
0x27: {  	s1 =	sld [smem:$0x3FAB]  }
0x28: {  	s2 =	sld [smem:$0x3FAC]  }
0x29: {  	s4 =	sld [smem:$0x3FAE]  }
0x2a: {  	p0 =	seq.s32 s5, $0x0;
	s5 =	sld [smem:$0x3FAF]  }
0x2b: {  	s6 =	sld [smem:$0x3FB0]  }
0x2c: {  	s7 =	sld [smem:$0x3FB1]  }
0x2d: {  	s3 =	simm.s32 $0x108;
	s8 =	sld [smem:$0x3FB2]  }
0x2e: {  	s3 =	simm.s32 @!p0 $0x1082;
	s9 =	sld [smem:$0x3FB3]  }
0x2f: {  	lr =	sadd.s32 s0, s3;
	s0 =	sld [smem:$0x3FAA]  }
0x30: {  	s3 =	sld [smem:$0x3FAD]  }
0x31: {  	[smem:$0x3FB6] =	sst s10  }
0x32: {  	s10 =	sld [smem:$0x3FB4];
	_ =	sdelay $0x3  }
0x33: {  	p0 =	seq.s32 s10, $0x1;
	s10 =	sld [smem:$0x3FB6];
	_ =	sdelay $0x3  }
0x34: {  	[smem:$0x3FB6] =	sst s10  }
0x35: {  	s10 =	sld [smem:$0x3FB5];
	_ =	sdelay $0x3  }
0x36: {  	p1 =	seq.s32 s10, $0x1;
	s10 =	sld [smem:$0x3FB6];
	_ =	sdelay $0x3  }
0x37: {  	[smem:$0x3FB6] =	sst s10  }
0x38: {  	s10 =	sld [smem:$0x3FB7]  }
0x39: {  	_ = 	snop;
	(pc) =	sbr.ind lr, $3  }
0x3a: {  	_ = 	snop  }
0x3b: {  	_ = 	snop  }
0x3c: {  	p2 =	seq.s32 s10, $0x1;
	s10 =	sld [smem:$0x3FB6]  }
0x3d: {  	_ =	shalt  }
0x3e: {  	_ =	shalt  }
0x3f: {  	_ =	shalt  }
0x40: {  	_ =	shalt  }
0x41: {  	_ =	shalt  }
0x42: {  	_ =	shalt  }
0x43: {  	_ =	shalt  }
0x44: {  	_ =	shalt  }
0x45: {  	_ =	shalt  }
0x46: {  	_ =	shalt  }
0x47: {  	_ =	shalt  }
0x48: {  	_ =	shalt  }
0x49: {  	_ =	shalt  }
0x4a: {  	_ =	shalt  }
0x4b: {  	_ =	shalt  }
0x4c: {  	_ =	shalt  }
0x4d: {  	_ =	shalt  }
0x4e: {  	_ =	shalt  }
0x4f: {  	_ =	shalt  }
0x50: {  	_ =	shalt  }
0x51: {  	_ =	shalt  }
0x52: {  	_ =	shalt  }
0x53: {  	_ =	shalt  }
0x54: {  	_ =	shalt  }
0x55: {  	_ =	shalt  }
0x56: {  	_ =	shalt  }
0x57: {  	_ =	shalt  }
0x58: {  	_ =	shalt  }
0x59: {  	_ =	shalt  }
0x5a: {  	_ =	shalt  }
0x5b: {  	_ =	shalt  }
0x5c: {  	_ =	shalt  }
0x5d: {  	_ =	shalt  }
0x5e: {  	_ =	shalt  }
0x5f: {  	_ =	shalt  }
0x60: {  	_ =	shalt  }
0x61: {  	_ =	shalt  }
0x62: {  	_ =	shalt  }
0x63: {  	_ =	shalt  }
0x64: {  	_ =	shalt  }
0x65: {  	_ =	shalt  }
0x66: {  	_ =	shalt  }
0x67: {  	_ =	shalt  }
0x68: {  	_ =	shalt  }
0x69: {  	_ =	shalt  }
0x6a: {  	_ =	shalt  }
0x6b: {  	_ =	shalt  }
0x6c: {  	_ =	shalt  }
0x6d: {  	_ =	shalt  }
0x6e: {  	_ =	shalt  }
0x6f: {  	_ =	shalt  }
0x70: {  	_ =	shalt  }
0x71: {  	_ =	shalt  }
0x72: {  	_ =	shalt  }
0x73: {  	_ =	shalt  }
0x74: {  	_ =	shalt  }
0x75: {  	_ =	shalt  }
0x76: {  	_ =	shalt  }
0x77: {  	_ =	shalt  }
0x78: {  	_ =	shalt  }
0x79: {  	_ =	shalt  }
0x7a: {  	_ =	shalt  }
0x7b: {  	_ =	shalt  }
0x7c: {  	_ =	shalt  }
0x7d: {  	_ =	shalt  }
0x7e: {  	_ =	shalt  }
0x7f: {  	_ =	shalt  }
0x80: {  	_ =	shalt  }
0x81: {  	_ =	shalt  }
0x82: {  	_ =	shalt  }
0x83: {  	_ =	shalt  }
0x84: {  	_ =	shalt  }
0x85: {  	_ =	shalt  }
0x86: {  	_ =	shalt  }
0x87: {  	_ =	shalt  }
.Lfunc_end0:
.L_simem_size_0:
called_computation.2_lowered:
.L_overlay_start_0:
0x88: {  	s2 =	sld [smem:$0x3FD9]  }
0x89: {  	s3 =	sld [smem:$0x3FFE];
	_ =	sdelay $0x1  }
0x8a: {  	s1 =	srdreg.scid  }
0x8b: {  	s0 =	sand.u32 $0x1, s1  }
0x8c: {  	s17 =	sshll.u32 s0, $0xA;
	s2 =	sadd.s32 s3, s2  }
0x8d: {  	s2 =	sadd.s32 s2, s17  }
0x8e: {  	[smem:$0x3FC2] =	sst s2  }
0x8f: {  	_ = 	snop  }
0x90: {  	s2 =	sld [smem:$0x3FD0];
	(tm) =	ssettm $0x1  }
0x91: {  	s18 =	sld [smem:$0x3FFB];
	_ =	sdelay $0x3  }
0x92: {  	_ =	strace s18  }
0x93: {  	s3 =	sld [smem:$0x3FFC];
	_ =	sdelay $0x3  }
0x94: {  	_ =	strace s3  }
0x95: {  	s3 =	sld [smem:$0x3FFD];
	_ =	sdelay $0x3  }
0x96: {  	_ =	strace s3  }
0x97: {  	_ =	strace $0x8FFFFFFF  }
0x98: {  	s19 =	sld [smem:$0x3FDB];
	_ =	sdelay $0x1  }
0x99: {  	s4 =	simm.s32 $_scs_section_size  }
0x9a: {  	s5 =	simm.s32 $_size__tile_overlayer_lowered;
	s6 =	simm.s32 $_tile_overlayer_lowered  }
0x9b: {  	s22 =	simm.s32 $0x1BFF;
	s21 =	sshll.u32 s6, $0x1;
	s3 =	sadd.s32 s4, s19  }
0x9c: {  	s7 =	simm.s32 $0x0;
	s20 =	sshll.u32 s5, $0x1;
	s5 =	sadd.s32 s21, s3  }
0x9d: {  	[timem:s7], [sflag:s22] =	dma.local [hbm:s5], s20  }
0x9e: {  	_ =	swait.ge [sflag:s22], s20  }
0x9f: {  	s4 =	ssub.s32 $0x0, s20;
	[sflag:s22] =	ssyncset.done $0x0  }
0xa0: {  	[sflag:s22] =	ssyncadd.s32 s4;
	_ =	sdelay $0x1  }
0xa1: {  	s23 =	simm.s32 $0x1B8B  }
0xa2: {  	_ =	swait.ge [sflag:s23], $0x1  }
0xa3: {  	[sflag:s23] =	ssyncset.done $0x0  }
0xa4: {  	s25 =	simm.s32 $0x1B8E;
	s24 =	sld [smem:$0x3FFE];
	[sflag:s23] =	ssyncadd.s32 $0xFFFFFFFF  }
0xa5: {  	s26 =	simm.s32 $execute0_lowered;
	[smem:$0x3FD2] =	sst s25  }
0xa6: {  	s5 =	sshll.u32 s26, $0x1;
	_ =	strace $0x8000004C;
	[dreg:$0x1] =	wrdreg $0xFFFFFFFF  }
0xa7: {  	s28 =	simm.s32 $_size_execute0_lowered;
	s3 =	sadd.s32 s3, s5;
	[dreg:$0x0] =	wrdreg $0x0  }
0xa8: {  	s5 =	sshll.u32 s28, $0x1;
	[dreg:$0x2] =	wrdreg s3  }
0xa9: {  	[dreg:$0x3] =	wrdreg s5  }
0xaa: {  	[dreg:$0x4] =	wrdreg $0xC0  }
0xab: {  	_ =	task [dreg:s7], $0x5FFFF  }
0xac: {  	[dreg:$0x1] =	wrdreg $0xFFFFFFFF  }
0xad: {  	[dreg:$0x0] =	wrdreg $0x60  }
0xae: {  	[dreg:$0x2] =	wrdreg s2  }
0xaf: {  	[dreg:$0x3] =	wrdreg s24  }
0xb0: {  	[dreg:$0x4] =	wrdreg $0x41000  }
0xb1: {  	[dreg:$0x5] =	wrdreg $0x9  }
0xb2: {  	_ =	task.clear_ibuf [dreg:s7], $0x6FFFF;
	_ =	strace $0x9000004C  }
0xb3: {  	s29 =	simm.s32 $0x9;
	_ =	strace $0x8000004E  }
0xb4: {  	_ =	swait.ge [sflag:s29], $0x1  }
0xb5: {  	[sflag:s29] =	ssyncadd.s32 $0xFFFFFFFF  }
0xb6: {  	_ =	strace $0x9000004E  }
0xb7: {  	_ =	sfence  }
0xb8: {  	s30 =	sld [smem:$0x0];
	_ =	sdelay $0x2  }
0xb9: {  	s31 =	sshll.u32 s1, $0xD;
	s1 =	sshrl.u32 s1, $0x2  }
0xba: {  	s3 =	sand.u32 $0x4000, s31;
	s1 =	sadd.s32 s1, s30  }
0xbb: {  	s0 =	sor.u32 s3, s0;
	s1 =	sshll.u32 s1, $0x11  }
0xbc: {  	s0 =	sor.u32 s1, s0  }
0xbd: {  	s0 =	sadd.s32 $0x8F2B, s0  }
0xbe: {  	[sflag:s0] =	ssyncadd.remote.s32 $0x1  }
0xbf: {  	_ =	sfence.sel $0xFFFF  }
0xc0: {  	[dreg:$0x0] =	wrdreg $0xFFFFFFFF;
	(pc) =	sbr.abs _section_cstart, $3  }
0xc1: {  	[dreg:$0x1] =	wrdreg $0xFFFFFFFF  }
0xc2: {  	_ =	task.clear_ibuf [dreg:s7], $0x2FFFF;
	_ =	strace $0x9FFFFFFF  }
0xc3: {  	(tm) =	ssettm $0x7FFFFFFF  }
tec
execute0_lowered:
.L_overlay_start_1:
0x0: {  	(tag) =	ssettag $0x1  }
0x1: {  	s8 =	rddreg [dreg:$0x0]  }
0x2: {  	s5 =	rddreg [dreg:$0x1]  }
0x3: {  	s0 =	srdreg.scid;
	s1 =	stileid.u32  }
0x4: {  	s2 =	rddreg [dreg:$0x2];
	s7 =	smul.u32 $0x14000, s1  }
0x5: {  	s3 =	simm.s32 $0x0;
	s15 =	simm.s32 $0x1;
	s13 =	smul.u32 $0x50000, s1  }
0x6: {  	s6 =	sand.u32 $0x1, s0;
	s0 =	rddreg [dreg:$0x3];
	s30 =	smul.u32 $0x9D0, s1  }
0x7: {  	s16 =	simm.s32 $0x0;
	[smem:$0x7FF] =	sst s3;
	s9 =	smul.u32 $0x9D00, s6  }
0x8: {  	s4 =	sadd.s32 $0x8E800, s5;
	s29 =	sshll.u32 s1, $0x6;
	s10 =	smul.u32 $0x140000, s6  }
0x9: {  	_ =	strace $0x8000004D;
	s6 =	ssub.s32 $0x2, s6;
	s12 =	sshrl.u32 s7, $0x3  }
0xa: {  	s26 =	sshrl.u32 s6, $0x1;
	s28 =	sshrl.u32 s13, $0x2;
	s13 =	simm.s32 $0x80  }
0xb: {  	s11 =	sadd.s32 s9, s5;
	s7 =	sadd.s32 s7, s10;
	s12 =	sadd.s32 s12, s5  }
0xc: {  	s10 =	ssub.s32 s6, s26;
	s14 =	sadd.s32 s28, s2;
	s6 =	sor.u32 $0x1C02, s29  }
0xd: {  	s31 =	sadd.s32 s9, s8;
	s7 =	sshrl.u32 s7, $0x3;
	s11 =	sadd.s32 s30, s11  }
0xe: {  	s8 =	smax.u32 s10, $0x1;
	s10 =	sadd.s32 s30, s31;
	s7 =	sadd.s32 s7, s5  }
0xf: {  	s5 =	sadd.s32 $0x16000, s12;
	s9 =	sadd.s32 $0x2600, s11;
	s11 =	sshrl.u32 s14, $0x3  }
0x10: {  	s12 =	simm.s32 $0x2;
	s14 =	simm.s32 $0x100;
	s7 =	sadd.s32 $0xB5A00, s7  }
.LBB2_1:
0x11: {  	[spmem:s11], [sflag:s6] =	dma.local [hbm:s5], $0x2800  }
0x12: {  	_ =	swait.ge [sflag:s12], $0x2800  }
0x13: {  	[sflag:s12] =	ssyncset.done $0x0  }
0x14: {  	[sflag:s12] =	ssyncadd.s32 $0xFFFFD800  }
0x15: {  	s17 =	sadd.s32 $0x0, s10;
	[bflag:$0x0] =	sbarrier.arrive $0xFFFF  }
0x16: {  	[tilespmem:s3], [sflag:$0x2] =	stream.linear.gather [hbm4b:s17+s3], $0x80, $0x38;
	[tilespmem:$0x18100] =	vst v63  }
0x17: {  	_ =	swait.ge [sflag:s12], $0x80  }
0x18: {  	[sflag:s12] =	ssyncset.done $0x0  }
0x19: {  	s31 =	sadd.s32 $0x0, s9;
	[sflag:s12] =	ssyncadd.s32 $0xFFFFFF80  }
0x1a: {  	[tilespmem:s13], [sflag:$0x2] =	stream.linear.gather [hbm4b:s31+s3], $0x80, $0x38;
	[tilespmem:$0x18100] =	vst v63  }
0x1b: {  	_ =	swait.ge [sflag:s12], $0x80  }
0x1c: {  	[sflag:s12] =	ssyncset.done $0x0  }
0x1d: {  	[sflag:s12] =	ssyncadd.s32 $0xFFFFFF80  }
0x1e: {  	[tilespmem:s14], [sflag:$0x1] =	stream.indirect.gather [hbm4b:s4+s13], $0x80, s3, s13, $0xb8;
	[tilespmem:$0x18100] =	vst v63  }
0x1f: {  	_ =	swait.ge [sflag:s15], $0x4000  }
0x20: {  	[sflag:s15] =	ssyncset.done $0x0  }
0x21: {  	[sflag:s15] =	ssyncadd.s32 $0xFFFFC000  }
0x22: {  	[spmem:s2] =	stream.indirect.scatter.add.f32 [tilespmem:s14], [sflag:$0x2], $0x80, s13, s13, $0xb8;
	[tilespmem:$0x18100] =	vst v63  }
0x23: {  	_ =	swait.ge [sflag:s12], $0x4000  }
0x24: {  	s18 =	simm.s32 $0x20;
	s17 =	simm.s32 $0x10;
	[sflag:s12] =	ssyncset.done $0x0  }
.LBB2_2:
0x25: {  	s19 =	sadd.s32 s17, s10  }
0x26: {  	[sflag:s12] =	ssyncadd.s32 $0xFFFFC000;
	s20 =	smov.u32 s18;
	s21 =	sadd.s32 $0x10, s18  }
0x27: {  	[tilespmem:s3], [sflag:$0x2] =	stream.linear.gather [hbm4b:s19+s3], $0x80, $0x38;
	[tilespmem:$0x18100] =	vst v63  }
0x28: {  	p0 =	sne.s32 s18, $0x9C0;
	_ =	swait.ge [sflag:s12], $0x80  }
0x29: {  	[sflag:s12] =	ssyncset.done $0x0  }
0x2a: {  	s18 =	sadd.s32 s17, s9;
	s17 =	smov.u32 s20;
	[sflag:s12] =	ssyncadd.s32 $0xFFFFFF80  }
0x2b: {  	[tilespmem:s13], [sflag:$0x2] =	stream.linear.gather [hbm4b:s18+s3], $0x80, $0x38;
	[tilespmem:$0x18100] =	vst v63  }
0x2c: {  	_ =	swait.ge [sflag:s12], $0x80  }
0x2d: {  	[sflag:s12] =	ssyncset.done $0x0  }
0x2e: {  	[sflag:s12] =	ssyncadd.s32 $0xFFFFFF80  }
0x2f: {  	[tilespmem:s14], [sflag:$0x1] =	stream.indirect.gather [hbm4b:s4+s13], $0x80, s3, s13, $0xb8;
	[tilespmem:$0x18100] =	vst v63  }
0x30: {  	_ =	swait.ge [sflag:s15], $0x4000  }
.Ltmp0:
0x31: {  	[sflag:s15] =	ssyncset.done $0x0;
	(pc) =	sbr.rel @p0 .LBB2_2-.Ltmp0, $4  }
0x32: {  	[sflag:s15] =	ssyncadd.s32 $0xFFFFC000  }
0x33: {  	[spmem:s2] =	stream.indirect.scatter.add.f32 [tilespmem:s14], [sflag:$0x2], $0x80, s13, s13, $0xb8;
	[tilespmem:$0x18100] =	vst v63  }
0x34: {  	_ =	swait.ge [sflag:s12], $0x4000  }
0x35: {  	s18 =	smov.u32 s21;
	[sflag:s12] =	ssyncset.done $0x0  }
0x36: {  	s18 =	sadd.s32 s17, s10;
	[sflag:s12] =	ssyncadd.s32 $0xFFFFC000  }
0x37: {  	[tilespmem:s3], [sflag:$0x2] =	stream.linear.gather [hbm4b:s18+s3], $0x80, $0x38;
	[tilespmem:$0x18100] =	vst v63  }
0x38: {  	_ =	swait.ge [sflag:s12], $0x80  }
0x39: {  	[sflag:s12] =	ssyncset.done $0x0  }
0x3a: {  	s31 =	sadd.s32 s17, s9;
	[sflag:s12] =	ssyncadd.s32 $0xFFFFFF80  }
0x3b: {  	[tilespmem:s13], [sflag:$0x2] =	stream.linear.gather [hbm4b:s31+s3], $0x80, $0x38;
	[tilespmem:$0x18100] =	vst v63  }
0x3c: {  	_ =	swait.ge [sflag:s12], $0x80  }
0x3d: {  	[sflag:s12] =	ssyncset.done $0x0  }
0x3e: {  	[sflag:s12] =	ssyncadd.s32 $0xFFFFFF80  }
0x3f: {  	[tilespmem:s14], [sflag:$0x1] =	stream.indirect.gather [hbm4b:s4+s13], $0x80, s3, s13, $0xb8;
	[tilespmem:$0x18100] =	vst v63  }
0x40: {  	_ =	swait.ge [sflag:s15], $0x4000  }
0x41: {  	[sflag:s15] =	ssyncset.done $0x0  }
0x42: {  	[sflag:s15] =	ssyncadd.s32 $0xFFFFC000  }
0x43: {  	[spmem:s2] =	stream.indirect.scatter.add.f32 [tilespmem:s14], [sflag:$0x2], $0x80, s13, s13, $0xb8;
	[tilespmem:$0x18100] =	vst v63  }
0x44: {  	_ =	swait.ge [sflag:s12], $0x4000  }
0x45: {  	s16 =	sadd.s32 $0x1, s16;
	[sflag:s12] =	ssyncset.done $0x0  }
0x46: {  	p0 =	sne.s32 s16, s8;
	[sflag:s12] =	ssyncadd.s32 $0xFFFFC000  }
.Ltmp1:
0x47: {  	[bflag:$0x0] =	sbarrier.arrive $0xFFFF;
	(pc) =	sbr.rel @p0 .LBB2_1-.Ltmp1, $4  }
0x48: {  	[hbm:s7], [sflag:s6] =	dma.local [spmem:s11], $0x2800  }
0x49: {  	_ =	swait.ge [sflag:s12], $0x2800  }
0x4a: {  	[sflag:s12] =	ssyncset.done $0x0  }
0x4b: {  	[sflag:s12] =	ssyncadd.s32 $0xFFFFD800  }
0x4c: {  	_ =	sfence.sel $0x180000  }
0x4d: {  	[bflag:$0x0] =	sbarrier.arrive $0xFFFF  }
0x4e: {  	p0 =	sne.s32 s1, $0x0;
	_ =	strace $0x9000004D  }
0x4f: {  	s0 =	sadd.s32 @!p0 $0x100000, s0;
	[bflag:$0x2] =	sbarrier.arrive $0xFFFF  }
0x50: {  	[sflag:s0] =	ssyncadd.tile.s32 @!p0 $0x1;
	_ =	shalt  }
.Lfunc_end2:
_tile_overlayer_lowered:
.L_overlay_start_2:
0x51: {  	(tag) =	ssettag $0x2  }
0x52: {  	s0 =	rddreg [dreg:$0x0];
	s2 =	stileid.u32  }
0x53: {  	s1 =	rddreg [dreg:$0x1];
	p0 =	sne.s32 s2, $0x0  }
0x54: {  	s3 =	rddreg [dreg:$0x2];
	[bflag:$0x3] =	sbarrier.arrive $0xFFFF;
	s2 =	simm.s32 @!p0 $0x1C02  }
0x55: {  	[timem:s3], [sflag:s2] =	dma.local @!p0 [hbm:s0], s1  }
0x56: {  	s0 =	simm.s32 @!p0 $0x2  }
0x57: {  	_ =	swait.ge @!p0 [sflag:s0], s1  }
0x58: {  	s1 =	ssub.s32 @!p0 $0x0, s1;
	[sflag:s0] =	ssyncset.done @!p0 $0x0  }
0x59: {  	[sflag:s0] =	ssyncadd.s32 @!p0 s1  }
0x5a: {  	[bflag:$0x3] =	sbarrier.arrive $0xFFFF  }
0x5b: {  	_ =	shalt  }

// kernel: kernel.8.cloned.1.call-start
scs
__scs_entry_jumppad:
0x0: {  	(pc) =	sbr.rel $0x88, $3  }
0x1: {  	(tag) =	ssettag $0x0;
	lr =	simm.s32 $0x1  }
0x2: {  	[smem:$0x3F9B] =	sst lr;
	_ =	strace $0xD0000000  }
0x3: {  	_ = 	snop  }
0x4: {  	_ = 	snop  }
0x5: {  	_ = 	snop  }
0x6: {  	_ = 	snop  }
0x7: {  	_ = 	snop  }
__scs_overlays_trampoline_lowered:
0x8: {  	[smem:$0x3FAA] =	sst s0  }
0x9: {  	[smem:$0x3FAB] =	sst s1  }
0xa: {  	[smem:$0x3FAC] =	sst s2  }
0xb: {  	[smem:$0x3FAD] =	sst s3  }
0xc: {  	[smem:$0x3FAE] =	sst s4  }
0xd: {  	[smem:$0x3FAF] =	sst s5  }
0xe: {  	[smem:$0x3FB0] =	sst s6  }
0xf: {  	[smem:$0x3FB1] =	sst s7  }
0x10: {  	[smem:$0x3FB2] =	sst s8  }
0x11: {  	[smem:$0x3FB3] =	sst s9;
	s0 =	simm.s32 @!p0 $0x0  }
0x12: {  	s1 =	sld [smem:$0x3F99];
	s0 =	simm.s32 @p0 $0x1  }
0x13: {  	[smem:$0x3FB4] =	sst s0;
	s0 =	simm.s32 @!p1 $0x0  }
0x14: {  	s2 =	sld [smem:$0x3F98];
	s0 =	simm.s32 @p1 $0x1  }
0x15: {  	[smem:$0x3FB5] =	sst s0;
	s0 =	simm.s32 @!p2 $0x0  }
0x16: {  	s3 =	sld [smem:$0x3FDB];
	s0 =	simm.s32 @p2 $0x1  }
0x17: {  	s4 =	simm.s32 $0x1BF5;
	[smem:$0x3FB7] =	sst s0  }
0x18: {  	s0 =	sld [smem:$0x3F9A];
	_ =	swait.ge [sflag:s4], $0x0  }
0x19: {  	s7 =	sld [smem:$0x3F9B]  }
0x1a: {  	s8 =	sadd.s32 $0xFFFFE003, lr  }
0x1b: {  	s9 =	sadd.s32 $0xFFFFFEF7, lr;
	s5 =	simm.s32 $0xFFFFFFFF;
	p2 =	slt.u32 s8, $0xFFFFF086  }
0x1c: {  	p1 =	slt.u32 s9, $0xF7A;
	s5 =	simm.s32 @!p2 $0x0  }
0x1d: {  	s5 =	simm.s32 @p1 $0x1;
	p0 =	seq.s32 s7, s2  }
0x1e: {  	s7 =	smul.u32 @!p0 $0xF7A, s2;
	p2 =	seq.s32 @!p0 s5, $0x0  }
0x1f: {  	s9 =	smul.u32 $0xF7A, s1;
	s8 =	simm.s32 @!p0 $0x1BF5;
	p2 =	por !p2, p0  }
0x20: {  	[sflag:s8] =	ssyncset.s32 @!p0 $0xFFFFF086;
	s6 =	sadd.s32 @!p0 s3, s7;
	s7 =	simm.s32 @!p0 $0x108  }
0x21: {  	s3 =	sadd.s32 s3, s9;
	s6 =	sadd.s32 @!p0 $0x88, s6;
	s7 =	simm.s32 @p2 $0x1082  }
0x22: {  	[simem:s7], [sflag:s8] =	dma.local @!p0 [hbm:s6], $0xF7A  }
0x23: {  	s9 =	sor.u32 $0xD0000000, s2;
	s6 =	simm.s32 $0x108;
	_ =	swait.ge @!p0 [sflag:s8], $0x0  }
0x24: {  	s3 =	sadd.s32 $0x88, s3;
	s6 =	simm.s32 @!p1 $0x1082;
	[sflag:s4] =	ssyncset.s32 $0xFFFFF086  }
0x25: {  	[simem:s6], [sflag:s4] =	dma.local [hbm:s3], $0xF7A  }
0x26: {  	[smem:$0x3F9B] =	sst s1;
	(tag) =	ssettag s2;
	_ =	strace s9  }
0x27: {  	s1 =	sld [smem:$0x3FAB]  }
0x28: {  	s2 =	sld [smem:$0x3FAC]  }
0x29: {  	s4 =	sld [smem:$0x3FAE]  }
0x2a: {  	p0 =	seq.s32 s5, $0x0;
	s5 =	sld [smem:$0x3FAF]  }
0x2b: {  	s6 =	sld [smem:$0x3FB0]  }
0x2c: {  	s7 =	sld [smem:$0x3FB1]  }
0x2d: {  	s3 =	simm.s32 $0x108;
	s8 =	sld [smem:$0x3FB2]  }
0x2e: {  	s3 =	simm.s32 @!p0 $0x1082;
	s9 =	sld [smem:$0x3FB3]  }
0x2f: {  	lr =	sadd.s32 s0, s3;
	s0 =	sld [smem:$0x3FAA]  }
0x30: {  	s3 =	sld [smem:$0x3FAD]  }
0x31: {  	[smem:$0x3FB6] =	sst s10  }
0x32: {  	s10 =	sld [smem:$0x3FB4];
	_ =	sdelay $0x3  }
0x33: {  	p0 =	seq.s32 s10, $0x1;
	s10 =	sld [smem:$0x3FB6];
	_ =	sdelay $0x3  }
0x34: {  	[smem:$0x3FB6] =	sst s10  }
0x35: {  	s10 =	sld [smem:$0x3FB5];
	_ =	sdelay $0x3  }
0x36: {  	p1 =	seq.s32 s10, $0x1;
	s10 =	sld [smem:$0x3FB6];
	_ =	sdelay $0x3  }
0x37: {  	[smem:$0x3FB6] =	sst s10  }
0x38: {  	s10 =	sld [smem:$0x3FB7]  }
0x39: {  	_ = 	snop;
	(pc) =	sbr.ind lr, $3  }
0x3a: {  	_ = 	snop  }
0x3b: {  	_ = 	snop  }
0x3c: {  	p2 =	seq.s32 s10, $0x1;
	s10 =	sld [smem:$0x3FB6]  }
0x3d: {  	_ =	shalt  }
0x3e: {  	_ =	shalt  }
0x3f: {  	_ =	shalt  }
0x40: {  	_ =	shalt  }
0x41: {  	_ =	shalt  }
0x42: {  	_ =	shalt  }
0x43: {  	_ =	shalt  }
0x44: {  	_ =	shalt  }
0x45: {  	_ =	shalt  }
0x46: {  	_ =	shalt  }
0x47: {  	_ =	shalt  }
0x48: {  	_ =	shalt  }
0x49: {  	_ =	shalt  }
0x4a: {  	_ =	shalt  }
0x4b: {  	_ =	shalt  }
0x4c: {  	_ =	shalt  }
0x4d: {  	_ =	shalt  }
0x4e: {  	_ =	shalt  }
0x4f: {  	_ =	shalt  }
0x50: {  	_ =	shalt  }
0x51: {  	_ =	shalt  }
0x52: {  	_ =	shalt  }
0x53: {  	_ =	shalt  }
0x54: {  	_ =	shalt  }
0x55: {  	_ =	shalt  }
0x56: {  	_ =	shalt  }
0x57: {  	_ =	shalt  }
0x58: {  	_ =	shalt  }
0x59: {  	_ =	shalt  }
0x5a: {  	_ =	shalt  }
0x5b: {  	_ =	shalt  }
0x5c: {  	_ =	shalt  }
0x5d: {  	_ =	shalt  }
0x5e: {  	_ =	shalt  }
0x5f: {  	_ =	shalt  }
0x60: {  	_ =	shalt  }
0x61: {  	_ =	shalt  }
0x62: {  	_ =	shalt  }
0x63: {  	_ =	shalt  }
0x64: {  	_ =	shalt  }
0x65: {  	_ =	shalt  }
0x66: {  	_ =	shalt  }
0x67: {  	_ =	shalt  }
0x68: {  	_ =	shalt  }
0x69: {  	_ =	shalt  }
0x6a: {  	_ =	shalt  }
0x6b: {  	_ =	shalt  }
0x6c: {  	_ =	shalt  }
0x6d: {  	_ =	shalt  }
0x6e: {  	_ =	shalt  }
0x6f: {  	_ =	shalt  }
0x70: {  	_ =	shalt  }
0x71: {  	_ =	shalt  }
0x72: {  	_ =	shalt  }
0x73: {  	_ =	shalt  }
0x74: {  	_ =	shalt  }
0x75: {  	_ =	shalt  }
0x76: {  	_ =	shalt  }
0x77: {  	_ =	shalt  }
0x78: {  	_ =	shalt  }
0x79: {  	_ =	shalt  }
0x7a: {  	_ =	shalt  }
0x7b: {  	_ =	shalt  }
0x7c: {  	_ =	shalt  }
0x7d: {  	_ =	shalt  }
0x7e: {  	_ =	shalt  }
0x7f: {  	_ =	shalt  }
0x80: {  	_ =	shalt  }
0x81: {  	_ =	shalt  }
0x82: {  	_ =	shalt  }
0x83: {  	_ =	shalt  }
0x84: {  	_ =	shalt  }
0x85: {  	_ =	shalt  }
0x86: {  	_ =	shalt  }
0x87: {  	_ =	shalt  }
.Lfunc_end0:
.L_simem_size_0:
called_computation_lowered:
.L_overlay_start_0:
0x88: {  	s2 =	sld [smem:$0x3FD9]  }
0x89: {  	s3 =	sld [smem:$0x3FFE];
	_ =	sdelay $0x1  }
0x8a: {  	s1 =	srdreg.scid  }
0x8b: {  	s0 =	sand.u32 $0x1, s1  }
0x8c: {  	s16 =	sshll.u32 s0, $0xA;
	s2 =	sadd.s32 s3, s2  }
0x8d: {  	s2 =	sadd.s32 s2, s16  }
0x8e: {  	[smem:$0x3FC2] =	sst s2  }
0x8f: {  	_ = 	snop  }
0x90: {  	(tm) =	ssettm $0x1  }
0x91: {  	s17 =	sld [smem:$0x3FFB];
	_ =	sdelay $0x3  }
0x92: {  	_ =	strace s17  }
0x93: {  	s2 =	sld [smem:$0x3FFC];
	_ =	sdelay $0x3  }
0x94: {  	_ =	strace s2  }
0x95: {  	s2 =	sld [smem:$0x3FFD];
	_ =	sdelay $0x3  }
0x96: {  	_ =	strace s2  }
0x97: {  	_ =	strace $0x8FFFFFFF  }
0x98: {  	s18 =	sld [smem:$0x3FDB];
	_ =	sdelay $0x1  }
0x99: {  	s19 =	simm.s32 $_scs_section_size  }
0x9a: {  	s4 =	simm.s32 $_size__tile_overlayer_lowered;
	s5 =	simm.s32 $_tile_overlayer_lowered  }
0x9b: {  	s22 =	simm.s32 $0x1BFF;
	s21 =	sshll.u32 s5, $0x1;
	s2 =	sadd.s32 s19, s18  }
0x9c: {  	s6 =	simm.s32 $0x0;
	s20 =	sshll.u32 s4, $0x1;
	s4 =	sadd.s32 s21, s2  }
0x9d: {  	[timem:s6], [sflag:s22] =	dma.local [hbm:s4], s20  }
0x9e: {  	_ =	swait.ge [sflag:s22], s20  }
0x9f: {  	s3 =	ssub.s32 $0x0, s20;
	[sflag:s22] =	ssyncset.done $0x0  }
0xa0: {  	[sflag:s22] =	ssyncadd.s32 s3;
	_ =	sdelay $0x1  }
0xa1: {  	s23 =	simm.s32 $0x1B8B  }
0xa2: {  	_ =	swait.ge [sflag:s23], $0x1  }
0xa3: {  	[sflag:s23] =	ssyncset.done $0x0  }
0xa4: {  	s25 =	simm.s32 $0x1B8E;
	s24 =	sld [smem:$0x3FFE];
	[sflag:s23] =	ssyncadd.s32 $0xFFFFFFFF  }
0xa5: {  	s26 =	simm.s32 $execute0_lowered;
	[smem:$0x3FD2] =	sst s25  }
0xa6: {  	s4 =	sshll.u32 s26, $0x1;
	_ =	strace $0x80000046;
	[dreg:$0x1] =	wrdreg $0xFFFFFFFF  }
0xa7: {  	s28 =	simm.s32 $_size_execute0_lowered;
	s2 =	sadd.s32 s2, s4;
	[dreg:$0x0] =	wrdreg $0x0  }
0xa8: {  	s4 =	sshll.u32 s28, $0x1;
	[dreg:$0x2] =	wrdreg s2  }
0xa9: {  	[dreg:$0x3] =	wrdreg s4  }
0xaa: {  	[dreg:$0x4] =	wrdreg $0xC0  }
0xab: {  	_ =	task [dreg:s6], $0x5FFFF  }
0xac: {  	[dreg:$0x1] =	wrdreg $0xFFFFFFFF  }
0xad: {  	[dreg:$0x0] =	wrdreg $0x60  }
0xae: {  	[dreg:$0x2] =	wrdreg s24  }
0xaf: {  	[dreg:$0x3] =	wrdreg $0x40800  }
0xb0: {  	[dreg:$0x4] =	wrdreg $0x9  }
0xb1: {  	_ =	task.clear_ibuf [dreg:s6], $0x5FFFF;
	_ =	strace $0x90000046  }
0xb2: {  	s29 =	simm.s32 $0x9;
	_ =	strace $0x80000048  }
0xb3: {  	_ =	swait.ge [sflag:s29], $0x1  }
0xb4: {  	[sflag:s29] =	ssyncadd.s32 $0xFFFFFFFF  }
0xb5: {  	_ =	strace $0x90000048  }
0xb6: {  	_ =	sfence  }
0xb7: {  	s30 =	sld [smem:$0x0];
	_ =	sdelay $0x2  }
0xb8: {  	s31 =	sshll.u32 s1, $0xD;
	s1 =	sshrl.u32 s1, $0x2  }
0xb9: {  	s3 =	sand.u32 $0x4000, s31;
	s1 =	sadd.s32 s1, s30  }
0xba: {  	s0 =	sor.u32 s3, s0;
	s1 =	sshll.u32 s1, $0x11  }
0xbb: {  	s0 =	sor.u32 s1, s0  }
0xbc: {  	s0 =	sadd.s32 $0x8F2B, s0  }
0xbd: {  	[sflag:s0] =	ssyncadd.remote.s32 $0x1  }
0xbe: {  	_ =	sfence.sel $0xFFFF  }
0xbf: {  	[dreg:$0x0] =	wrdreg $0xFFFFFFFF;
	(pc) =	sbr.abs _section_cstart, $3  }
0xc0: {  	[dreg:$0x1] =	wrdreg $0xFFFFFFFF  }
0xc1: {  	_ =	task.clear_ibuf [dreg:s6], $0x2FFFF;
	_ =	strace $0x9FFFFFFF  }
0xc2: {  	(tm) =	ssettm $0x7FFFFFFF  }
0xc3: {  	_ =	shalt  }
tec
execute0_lowered:
.L_overlay_start_1:
0x0: {  	(tag) =	ssettag $0x1  }
0x1: {  	s5 =	rddreg [dreg:$0x0]  }
0x2: {  	s2 =	rddreg [dreg:$0x1];
	s1 =	stileid.u32  }
0x3: {  	s0 =	rddreg [dreg:$0x2];
	s7 =	smul.u32 $0x14000, s1  }
0x4: {  	s4 =	srdreg.scid;
	s28 =	smul.u32 $0x50000, s1  }
0x5: {  	s3 =	simm.s32 $0x0;
	s6 =	sand.u32 $0x1, s4;
	s12 =	smul.u32 $0x9D0, s1  }
0x6: {  	[smem:$0x7FF] =	sst s3;
	s31 =	sshll.u32 s1, $0x6;
	s4 =	smul.u32 $0x9D00, s6  }
0x7: {  	_ =	strace $0x80000047;
	s9 =	smul.u32 $0x140000, s6;
	s6 =	ssub.s32 $0x2, s6  }
0x8: {  	s8 =	sshrl.u32 s7, $0x3;
	s11 =	sshrl.u32 s6, $0x1;
	s29 =	sshrl.u32 s28, $0x2  }
0x9: {  	s10 =	sadd.s32 s4, s5;
	s8 =	sadd.s32 s8, s5;
	s4 =	sadd.s32 $0x3E000, s5  }
0xa: {  	s7 =	sadd.s32 s7, s9;
	s11 =	ssub.s32 s6, s11;
	s13 =	sadd.s32 s29, s2  }
0xb: {  	s9 =	simm.s32 $0x80;
	s7 =	sshrl.u32 s7, $0x3;
	s30 =	sadd.s32 s12, s10  }
0xc: {  	s10 =	simm.s32 $0x1;
	s12 =	sshrl.u32 s13, $0x3;
	s13 =	simm.s32 $0x0  }
0xd: {  	s7 =	sadd.s32 s7, s5;
	s5 =	sadd.s32 $0x16000, s8;
	s8 =	sadd.s32 $0x2600, s30  }
0xe: {  	s6 =	sadd.s32 $0x3E800, s7;
	s7 =	smax.u32 s11, $0x1;
	s11 =	sor.u32 $0x1C01, s31  }
.LBB2_1:
0xf: {  	[tilespmem:s9], [sflag:$0x1] =	stream.linear.gather [hbm4b:s4+s3], $0x4000, $0x38;
	[tilespmem:$0x18080] =	vst v63  }
0x10: {  	_ =	swait.ge [sflag:s10], $0x4000  }
0x11: {  	[sflag:s10] =	ssyncset.done $0x0  }
0x12: {  	[sflag:s10] =	ssyncadd.s32 $0xFFFFC000  }
0x13: {  	[spmem:s12], [sflag:s11] =	dma.local [hbm:s5], $0x2800  }
0x14: {  	_ =	swait.ge [sflag:s10], $0x2800  }
0x15: {  	[sflag:s10] =	ssyncset.done $0x0  }
0x16: {  	[sflag:s10] =	ssyncadd.s32 $0xFFFFD800  }
0x17: {  	s14 =	sadd.s32 $0x0, s8;
	[bflag:$0x0] =	sbarrier.arrive $0xFFFF  }
0x18: {  	[tilespmem:s3], [sflag:$0x1] =	stream.linear.gather [hbm4b:s14+s3], $0x80, $0x38;
	[tilespmem:$0x18080] =	vst v63  }
0x19: {  	_ =	swait.ge [sflag:s10], $0x80  }
0x1a: {  	[sflag:s10] =	ssyncset.done $0x0  }
0x1b: {  	[sflag:s10] =	ssyncadd.s32 $0xFFFFFF80  }
0x1c: {  	[spmem:s2] =	stream.indirect.scatter.add.f32 [tilespmem:s9], [sflag:$0x1], $0x80, s3, s9, $0xb8;
	[tilespmem:$0x18080] =	vst v63  }
0x1d: {  	_ =	swait.ge [sflag:s10], $0x4000  }
0x1e: {  	s15 =	simm.s32 $0x20;
	s14 =	simm.s32 $0x10;
	[sflag:s10] =	ssyncset.done $0x0  }
.LBB2_2:
0x1f: {  	s16 =	sadd.s32 s14, s8  }
0x20: {  	[sflag:s10] =	ssyncadd.s32 $0xFFFFC000;
	s14 =	smov.u32 s15;
	s17 =	sadd.s32 $0x10, s15  }
0x21: {  	[tilespmem:s3], [sflag:$0x1] =	stream.linear.gather [hbm4b:s16+s3], $0x80, $0x38;
	[tilespmem:$0x18080] =	vst v63  }
0x22: {  	p0 =	sne.s32 s15, $0x9C0;
	_ =	swait.ge [sflag:s10], $0x80  }
.Ltmp0:
0x23: {  	[sflag:s10] =	ssyncset.done $0x0;
	(pc) =	sbr.rel @p0 .LBB2_2-.Ltmp0, $4  }
0x24: {  	[sflag:s10] =	ssyncadd.s32 $0xFFFFFF80  }
0x25: {  	[spmem:s2] =	stream.indirect.scatter.add.f32 [tilespmem:s9], [sflag:$0x1], $0x80, s3, s9, $0xb8;
	[tilespmem:$0x18080] =	vst v63  }
0x26: {  	_ =	swait.ge [sflag:s10], $0x4000  }
0x27: {  	s15 =	smov.u32 s17;
	[sflag:s10] =	ssyncset.done $0x0  }
0x28: {  	s14 =	sadd.s32 s14, s8;
	[sflag:s10] =	ssyncadd.s32 $0xFFFFC000  }
0x29: {  	[tilespmem:s3], [sflag:$0x1] =	stream.linear.gather [hbm4b:s14+s3], $0x80, $0x38;
	[tilespmem:$0x18080] =	vst v63  }
0x2a: {  	_ =	swait.ge [sflag:s10], $0x80  }
0x2b: {  	[sflag:s10] =	ssyncset.done $0x0  }
0x2c: {  	[sflag:s10] =	ssyncadd.s32 $0xFFFFFF80  }
0x2d: {  	[spmem:s2] =	stream.indirect.scatter.add.f32 [tilespmem:s9], [sflag:$0x1], $0x80, s3, s9, $0xb8;
	[tilespmem:$0x18080] =	vst v63  }
0x2e: {  	_ =	swait.ge [sflag:s10], $0x4000  }
0x2f: {  	s13 =	sadd.s32 $0x1, s13;
	[sflag:s10] =	ssyncset.done $0x0  }
0x30: {  	p0 =	sne.s32 s13, s7;
	[sflag:s10] =	ssyncadd.s32 $0xFFFFC000  }
.Ltmp1:
0x31: {  	[bflag:$0x0] =	sbarrier.arrive $0xFFFF;
	(pc) =	sbr.rel @p0 .LBB2_1-.Ltmp1, $4  }
0x32: {  	[hbm:s6], [sflag:s11] =	dma.local [spmem:s12], $0x2800  }
0x33: {  	_ =	swait.ge [sflag:s10], $0x2800  }
0x34: {  	[sflag:s10] =	ssyncset.done $0x0  }
0x35: {  	[sflag:s10] =	ssyncadd.s32 $0xFFFFD800  }
0x36: {  	_ =	sfence.sel $0x180000  }
0x37: {  	[bflag:$0x0] =	sbarrier.arrive $0xFFFF  }
0x38: {  	p0 =	sne.s32 s1, $0x0;
	_ =	strace $0x90000047  }
0x39: {  	s0 =	sadd.s32 @!p0 $0x100000, s0;
	[bflag:$0x2] =	sbarrier.arrive $0xFFFF  }
0x3a: {  	[sflag:s0] =	ssyncadd.tile.s32 @!p0 $0x1;
	_ =	shalt  }
.Lfunc_end2:
_tile_overlayer_lowered:
.L_overlay_start_2:
0x3b: {  	(tag) =	ssettag $0x2  }
0x3c: {  	s0 =	rddreg [dreg:$0x0];
	s2 =	stileid.u32  }
0x3d: {  	s1 =	rddreg [dreg:$0x1];
	p0 =	sne.s32 s2, $0x0  }
0x3e: {  	s3 =	rddreg [dreg:$0x2];
	[bflag:$0x3] =	sbarrier.arrive $0xFFFF;
	s2 =	simm.s32 @!p0 $0x1C01  }
0x3f: {  	[timem:s3], [sflag:s2] =	dma.local @!p0 [hbm:s0], s1  }
0x40: {  	s0 =	simm.s32 @!p0 $0x1  }
0x41: {  	_ =	swait.ge @!p0 [sflag:s0], s1  }
0x42: {  	s1 =	ssub.s32 @!p0 $0x0, s1;
	[sflag:s0] =	ssyncset.done @!p0 $0x0  }
0x43: {  	[sflag:s0] =	ssyncadd.s32 @!p0 s1  }
0x44: {  	[bflag:$0x3] =	sbarrier.arrive $0xFFFF  }
0x45: {  	_ =	shalt  }

</sc_bundles>
